<compile_context>
chip_gen: v7x
topology: tpu7x:2x2x1
jax: 0.10.2.dev20260603
libtpu: 0.0.44.dev20260713+nightly
codegen_flags: <defaults>
</compile_context>

<pallas_src>
import functools

import jax
import jax.numpy as jnp
from jax import lax
from jax.experimental import pallas as pl
from jax.experimental.pallas import tpu as pltpu
from jax.experimental.pallas import tpu_sc as plsc

N = 10000
E = 320000
H = 128
G = 64

NC, NS = 2, 16
NW = NC * NS
CH = 128
KC = 79
EPW = KC * CH
EP = NW * EPW
NP = 10240
ZROWS = NP // NS

_SC_MESH = plsc.VectorSubcoreMesh(core_axis_name="c", subcore_axis_name="s")


@functools.partial(
    pl.kernel,
    out_type=jax.ShapeDtypeStruct((NC, NP, H), jnp.float32),
    mesh=_SC_MESH,
    scratch_types=[
        pltpu.VMEM((KC, CH), jnp.int32),
        pltpu.VMEM((CH,), jnp.int32),
        pltpu.VMEM((CH,), jnp.int32),
        pltpu.VMEM((CH,), jnp.int32),
        pltpu.VMEM((CH,), jnp.int32),
        pltpu.VMEM((CH, H), jnp.float32),
        pltpu.VMEM((CH, H), jnp.float32),
        pltpu.VMEM_SHARED((NP, H), jnp.float32),
        pltpu.SemaphoreType.DMA,
        pltpu.SemaphoreType.DMA,
    ],
)
def _sc_segment_sum(x_hbm, packed_hbm, zeros_hbm, out_hbm,
                    packed_v, src_a, dst_a, src_b, dst_b,
                    rows_a, rows_b, acc, sem_a, sem_b):
    c = lax.axis_index("c")
    s = lax.axis_index("s")
    w = s * NC + c

    pltpu.sync_copy(zeros_hbm, acc.at[pl.ds(s * ZROWS, ZROWS)])
    pltpu.sync_copy(packed_hbm.at[w], packed_v)
    plsc.subcore_barrier()

    def unpack(cidx, s_ref, d_ref):
        for k in range(CH // 16):
            v = packed_v[cidx, pl.ds(16 * k, 16)]
            s_ref[pl.ds(16 * k, 16)] = v & 0xFFFF
            d_ref[pl.ds(16 * k, 16)] = lax.shift_right_logical(v, 16)

    unpack(0, src_a, dst_a)
    pltpu.async_copy(x_hbm.at[src_a], rows_a, sem_a)

    def body(j, carry):
        c0 = 2 * j
        c1 = c0 + 1
        unpack(c1, src_b, dst_b)
        pltpu.async_copy(x_hbm.at[src_b], rows_b, sem_b)
        pltpu.make_async_copy(x_hbm.at[src_a], rows_a, sem_a).wait()
        pltpu.sync_copy(rows_a, acc.at[dst_a], add=True)
        unpack(c0 + 2, src_a, dst_a)
        pltpu.async_copy(x_hbm.at[src_a], rows_a, sem_a)
        pltpu.make_async_copy(x_hbm.at[src_b], rows_b, sem_b).wait()
        pltpu.sync_copy(rows_b, acc.at[dst_b], add=True)
        return carry

    lax.fori_loop(0, KC // 2, body, 0)
    pltpu.make_async_copy(x_hbm.at[src_a], rows_a, sem_a).wait()
    pltpu.sync_copy(rows_a, acc.at[dst_a], add=True)
    plsc.subcore_barrier()

    pltpu.sync_copy(acc.at[pl.ds(s * ZROWS, ZROWS)],
                    out_hbm.at[c, pl.ds(s * ZROWS, ZROWS)])


def _mlp_body(x_ref, p0_ref, p1_ref, wa_ref, ba_ref, wb_ref, bb_ref,
              g_ref, be_ref, out_ref):
    t = x_ref[...] + p0_ref[0] + p1_ref[0]
    a = jnp.maximum(
        jnp.dot(t, wa_ref[...], preferred_element_type=jnp.float32)
        + ba_ref[...], 0.0)
    b = jnp.dot(a, wb_ref[...], preferred_element_type=jnp.float32) + bb_ref[...]
    out_ref[...] = jnp.maximum(b, 0.0) * g_ref[...] + be_ref[...]


def _mlp2_pool_body(ngrid, x_ref, p0_ref, p1_ref, batch_ref, wa_ref, ba_ref,
                    wb_ref, bb_ref, g_ref, be_ref, wfc_ref, bfc_ref,
                    out_ref, acc_ref):
    i = pl.program_id(0)
    t = x_ref[...] + p0_ref[0] + p1_ref[0]
    a = jnp.maximum(
        jnp.dot(t, wa_ref[...], preferred_element_type=jnp.float32)
        + ba_ref[...], 0.0)
    b = jnp.dot(a, wb_ref[...], preferred_element_type=jnp.float32) + bb_ref[...]
    h2 = jnp.maximum(b, 0.0) * g_ref[...] + be_ref[...]

    onehot = (batch_ref[...] ==
              lax.broadcasted_iota(jnp.int32, (1, G), 1)).astype(jnp.float32)
    contrib = lax.dot_general(onehot, h2, (((0,), (0,)), ((), ())),
                              preferred_element_type=jnp.float32)

    @pl.when(i == 0)
    def _():
        acc_ref[...] = jnp.zeros_like(acc_ref)

    acc_ref[...] += contrib

    @pl.when(i == ngrid - 1)
    def _():
        pooled = jnp.maximum(acc_ref[...], 0.0)
        out_ref[...] = (
            jnp.dot(pooled, wfc_ref[...], preferred_element_type=jnp.float32)
            + bfc_ref[...])


_BN = 2000
_NGRID = N // _BN


def _row_spec():
    return pl.BlockSpec((_BN, H), lambda i: (i, 0))


def _part_spec(core):
    return pl.BlockSpec((1, _BN, H), lambda i: (core, i, 0))


def _full_spec(shape):
    return pl.BlockSpec(shape, lambda i: tuple(0 for _ in shape))


def _mlp_layer(x, parts, wa, ba, wb, bb, g, be):
    return pl.pallas_call(
        _mlp_body,
        grid=(_NGRID,),
        in_specs=[_row_spec(), _part_spec(0), _part_spec(1),
                  _full_spec((H, H)), _full_spec((1, H)),
                  _full_spec((H, H)), _full_spec((1, H)),
                  _full_spec((1, H)), _full_spec((1, H))],
        out_specs=_row_spec(),
        out_shape=jax.ShapeDtypeStruct((N, H), jnp.float32),
    )(x, parts, parts, wa, ba, wb, bb, g, be)


def _mlp2_pool(x, parts, batch2, wa, ba, wb, bb, g, be, wfc, bfc):
    return pl.pallas_call(
        functools.partial(_mlp2_pool_body, _NGRID),
        grid=(_NGRID,),
        in_specs=[_row_spec(), _part_spec(0), _part_spec(1),
                  pl.BlockSpec((_BN, 1), lambda i: (i, 0)),
                  _full_spec((H, H)), _full_spec((1, H)),
                  _full_spec((H, H)), _full_spec((1, H)),
                  _full_spec((1, H)), _full_spec((1, H)),
                  _full_spec((H, H)), _full_spec((1, H))],
        out_specs=_full_spec((G, H)),
        out_shape=jax.ShapeDtypeStruct((G, H), jnp.float32),
        scratch_shapes=[pltpu.VMEM((G, H), jnp.float32)],
    )(x, parts, parts, batch2, wa, ba, wb, bb, g, be, wfc, bfc)


def kernel(x, edge_index, batch, W1a, b1a, W1b, b1b, g1, be1,
           W2a, b2a, W2b, b2b, g2, be2, Wfc, bfc):
    bn_scale = 1.0 / jnp.sqrt(1.0 + 1e-5)

    src = edge_index[0]
    dst = edge_index[1]
    pad = EP - E
    src_p = jnp.concatenate([src, jnp.zeros((pad,), jnp.int32)])
    pad_dst = N + (jnp.arange(pad, dtype=jnp.int32) % (NP - N))
    dst_p = jnp.concatenate([dst, pad_dst])
    packed = (src_p | (dst_p << 16)).reshape(NW, KC, CH)
    zeros = jnp.zeros((ZROWS, H), jnp.float32)
    batch2 = batch.reshape(N, 1)

    ba1 = b1a.reshape(1, H)
    bb1 = b1b.reshape(1, H)
    gs1 = (g1 * bn_scale).reshape(1, H)
    bee1 = be1.reshape(1, H)
    ba2 = b2a.reshape(1, H)
    bb2 = b2b.reshape(1, H)
    gs2 = (g2 * bn_scale).reshape(1, H)
    bee2 = be2.reshape(1, H)
    bfc2 = bfc.reshape(1, H)

    p = _sc_segment_sum(x, packed, zeros)
    h = _mlp_layer(x, p, W1a, ba1, W1b, bb1, gs1, bee1)
    q = _sc_segment_sum(h, packed, zeros)
    out = _mlp2_pool(h, q, batch2, W2a, ba2, W2b, bb2, gs2, bee2,
                     Wfc, bfc2)
    return out

# --- scband reference (transcript-rebuilt; emitter-appended) ---
"""Pipeline reference for scband-gin-71837622993126 (READ-ONLY COPY).

The authoritative reference and input builder live on the scoring server;
editing this copy changes nothing except your own understanding.
"""

import jax, jax.numpy as jnp
import numpy as np

N, E, F, H, O, G = 10000, 320000, 128, 128, 128, 64


def setup_inputs(seed: int = 0) -> dict:
    key = jax.random.key(seed)
    ks = jax.random.split(key, 16)
    x = jax.random.normal(ks[0], (N, F), dtype=jnp.float32)
    edge_index = jax.random.randint(ks[1], (2, E), 0, N, dtype=jnp.int32)
    batch = jnp.sort(jax.random.randint(ks[2], (N,), 0, G, dtype=jnp.int32))
    s = 1.0 / np.sqrt(H)
    W1a = jax.random.normal(ks[3], (F, H), dtype=jnp.float32) * s
    b1a = jnp.zeros((H,), dtype=jnp.float32)
    W1b = jax.random.normal(ks[4], (H, H), dtype=jnp.float32) * s
    b1b = jnp.zeros((H,), dtype=jnp.float32)
    g1 = jnp.ones((H,), dtype=jnp.float32)
    be1 = jnp.zeros((H,), dtype=jnp.float32)
    W2a = jax.random.normal(ks[5], (H, H), dtype=jnp.float32) * s
    b2a = jnp.zeros((H,), dtype=jnp.float32)
    W2b = jax.random.normal(ks[6], (H, H), dtype=jnp.float32) * s
    b2b = jnp.zeros((H,), dtype=jnp.float32)
    g2 = jnp.ones((H,), dtype=jnp.float32)
    be2 = jnp.zeros((H,), dtype=jnp.float32)
    Wfc = jax.random.normal(ks[7], (H, O), dtype=jnp.float32) * s
    bfc = jnp.zeros((O,), dtype=jnp.float32)
    return {"x": x, "edge_index": edge_index, "batch": batch,
            "W1a": W1a, "b1a": b1a, "W1b": W1b, "b1b": b1b, "g1": g1, "be1": be1,
            "W2a": W2a, "b2a": b2a, "W2b": W2b, "b2b": b2b, "g2": g2, "be2": be2,
            "Wfc": Wfc, "bfc": bfc}


def reference(x, edge_index, batch, W1a, b1a, W1b, b1b, g1, be1,
              W2a, b2a, W2b, b2b, g2, be2, Wfc, bfc):
    src = edge_index[0]
    dst = edge_index[1]
    bn_scale = 1.0 / jnp.sqrt(1.0 + 1e-5)  # eval-mode BN: running_mean=0, running_var=1

    # GINConv 1: (1 + eps) * x + sum_{j in N(i)} x_j, eps = 0
    agg = jax.ops.segment_sum(x[src], dst, num_segments=N)
    h = x + agg
    h = jnp.maximum(h @ W1a + b1a, 0.0) @ W1b + b1b
    h = jnp.maximum(h, 0.0)          # F.relu
    h = h * (g1 * bn_scale) + be1    # BatchNorm1d (eval)

    # GINConv 2
    agg2 = jax.ops.segment_sum(h[src], dst, num_segments=N)
    h2 = h + agg2
    h2 = jnp.maximum(h2 @ W2a + b2a, 0.0) @ W2b + b2b
    h2 = jnp.maximum(h2, 0.0)
    h2 = h2 * (g2 * bn_scale) + be2

    # global_add_pool over graph ids
    pooled = jax.ops.segment_sum(h2, batch, num_segments=G)
    pooled = jnp.maximum(pooled, 0.0)
    # dropout is identity in eval mode
    out = pooled @ Wfc + bfc
    return out

if __name__ == "__main__":
    import jax
    _d = setup_inputs()
    print(jax.jit(kernel)(*tuple(_d.values())))

</pallas_src>

<mosaic_0001>
#map = affine_map<(d0, d1) -> (0, 0)>
#map1 = affine_map<(d0, d1) -> (0, 0, 0)>
module attributes {stable_mosaic.version = 14 : i64} {
  func.func @_sc_segment_sum(%arg0: i32, %arg1: i32, %arg2: memref<10000x128xf32, #tpu.memory_space<hbm>>, %arg3: memref<32x79x128xi32, #tpu.memory_space<hbm>>, %arg4: memref<640x128xf32, #tpu.memory_space<hbm>>, %arg5: memref<2x10240x128xf32, #tpu.memory_space<hbm>>, %arg6: memref<79x128xi32, #tpu.memory_space<vmem>>, %arg7: memref<128xi32, #tpu.memory_space<vmem>>, %arg8: memref<128xi32, #tpu.memory_space<vmem>>, %arg9: memref<128xi32, #tpu.memory_space<vmem>>, %arg10: memref<128xi32, #tpu.memory_space<vmem>>, %arg11: memref<128x128xf32, #tpu.memory_space<vmem>>, %arg12: memref<128x128xf32, #tpu.memory_space<vmem>>, %arg13: memref<10240x128xf32, #tpu.memory_space<vmem_shared>>, %arg14: memref<!tpu.dma_semaphore, #tpu.memory_space<semaphore_mem>>, %arg15: memref<!tpu.dma_semaphore, #tpu.memory_space<semaphore_mem>>) attributes {dimension_semantics = [#tpu.dimension_semantics<core_parallel>, #tpu.dimension_semantics<subcore_parallel>], iteration_bounds = array<i64: 2, 16>, scalar_prefetch = 0 : i64, scratch_operands = 10 : i64, tpu.core_type = #tpu.core_type<sc_vector_subcore>, window_params = [{transform_indices = #map}, {transform_indices = #map1}, {transform_indices = #map}, {transform_indices = #map1}]} {
    %mul3A = arith.constant 2 : i32
    %mul3A_0 = arith.muli %arg1, %mul3A : i32
    %add3A = arith.addi %mul3A_0, %arg0 : i32
    %mul3A_1 = arith.constant 640 : i32
    %mul3A_2 = arith.muli %arg1, %mul3A_1 : i32
    "tpu.region"() ({
      %run_scoped3A = tpu.sem_alloc : memref<!tpu.dma_semaphore, #tpu.memory_space<semaphore_mem>>
      %dma_start3A_165 = arith.constant 0 : i32
      %dma_start3A_166 = tpu.memref_slice %arg13[%mul3A_2, %dma_start3A_165] : memref<10240x128xf32, #tpu.memory_space<vmem_shared>> -> memref<640x128xf32, #tpu.memory_space<vmem_shared>>
      tpu.enqueue_dma source(%arg4 : memref<640x128xf32, #tpu.memory_space<hbm>>) target(%dma_start3A_166 : memref<640x128xf32, #tpu.memory_space<vmem_shared>>) target_semaphore(%run_scoped3A : memref<!tpu.dma_semaphore, #tpu.memory_space<semaphore_mem>>)
      %dma_wait3A_167 = arith.constant 0 : i32
      %dma_wait3A_168 = tpu.memref_slice %arg13[%mul3A_2, %dma_wait3A_167] : memref<10240x128xf32, #tpu.memory_space<vmem_shared>> -> memref<640x128xf32, #tpu.memory_space<vmem_shared>>
      tpu.wait_dma2 semaphore(%run_scoped3A : memref<!tpu.dma_semaphore, #tpu.memory_space<semaphore_mem>>) src(%arg4 : memref<640x128xf32, #tpu.memory_space<hbm>>) dst(%dma_wait3A_168 : memref<640x128xf32, #tpu.memory_space<vmem_shared>>)
      tpu.yield
    }) : () -> ()
    "tpu.region"() ({
      %run_scoped3A = tpu.sem_alloc : memref<!tpu.dma_semaphore, #tpu.memory_space<semaphore_mem>>
      %dma_start3A_165 = arith.constant 0 : i32
      %dma_start3A_166 = arith.constant 0 : i32
      %dma_start3A_167 = tpu.memref_slice %arg3[%add3A, %dma_start3A_165, %dma_start3A_166] : memref<32x79x128xi32, #tpu.memory_space<hbm>> -> memref<1x79x128xi32, #tpu.memory_space<hbm>>
      %dma_start3A_168 = tpu.memref_squeeze %dma_start3A_167 : memref<1x79x128xi32, #tpu.memory_space<hbm>> -> memref<79x128xi32, #tpu.memory_space<hbm>>
      %dma_start3A_169 = arith.constant 0 : i32
      %dma_start3A_170 = arith.constant 0 : i32
      %dma_start3A_171 = tpu.memref_slice %arg3[%add3A, %dma_start3A_169, %dma_start3A_170] : memref<32x79x128xi32, #tpu.memory_space<hbm>> -> memref<1x79x128xi32, #tpu.memory_space<hbm>>
      %dma_start3A_172 = tpu.memref_squeeze %dma_start3A_171 : memref<1x79x128xi32, #tpu.memory_space<hbm>> -> memref<79x128xi32, #tpu.memory_space<hbm>>
      tpu.enqueue_dma source(%dma_start3A_172 : memref<79x128xi32, #tpu.memory_space<hbm>>) target(%arg6 : memref<79x128xi32, #tpu.memory_space<vmem>>) target_semaphore(%run_scoped3A : memref<!tpu.dma_semaphore, #tpu.memory_space<semaphore_mem>>)
      %dma_wait3A_173 = arith.constant 0 : i32
      %dma_wait3A_174 = arith.constant 0 : i32
      %dma_wait3A_175 = tpu.memref_slice %arg3[%add3A, %dma_wait3A_173, %dma_wait3A_174] : memref<32x79x128xi32, #tpu.memory_space<hbm>> -> memref<1x79x128xi32, #tpu.memory_space<hbm>>
      %dma_wait3A_176 = tpu.memref_squeeze %dma_wait3A_175 : memref<1x79x128xi32, #tpu.memory_space<hbm>> -> memref<79x128xi32, #tpu.memory_space<hbm>>
      %dma_wait3A_177 = arith.constant 0 : i32
      %dma_wait3A_178 = arith.constant 0 : i32
      %dma_wait3A_179 = tpu.memref_slice %arg3[%add3A, %dma_wait3A_177, %dma_wait3A_178] : memref<32x79x128xi32, #tpu.memory_space<hbm>> -> memref<1x79x128xi32, #tpu.memory_space<hbm>>
      %dma_wait3A_180 = tpu.memref_squeeze %dma_wait3A_179 : memref<1x79x128xi32, #tpu.memory_space<hbm>> -> memref<79x128xi32, #tpu.memory_space<hbm>>
      tpu.wait_dma2 semaphore(%run_scoped3A : memref<!tpu.dma_semaphore, #tpu.memory_space<semaphore_mem>>) src(%dma_wait3A_180 : memref<79x128xi32, #tpu.memory_space<hbm>>) dst(%arg6 : memref<79x128xi32, #tpu.memory_space<vmem>>)
      tpu.yield
    }) : () -> ()
    %barrier3A = arith.constant 0 : index
    tpu.barrier barrier_id(%barrier3A)
    %get3A = arith.constant 0 : i32
    %get3A_3 = arith.index_cast %get3A : i32 to index
    %get3A_4 = arith.constant 0 : index
    %get3A_5 = tpu.vector_load %arg6[%get3A_3, %get3A_4] {strides = array<i32>} : memref<79x128xi32, #tpu.memory_space<vmem>>, vector<1x16xi32>,
    %get3A_6 = vector.shape_cast %get3A_5 : vector<1x16xi32> to vector<16xi32>
    %and3A = arith.constant 65535 : i32
    %and3A_7 = vector.broadcast %and3A : i32 to vector<16xi32>
    %and3A_8 = arith.andi %get3A_6, %and3A_7 : vector<16xi32>
    %swap3A = arith.constant 0 : index
    %swap3A_9 = tpu.vector_load %arg7[%swap3A] {strides = array<i32>} : memref<128xi32, #tpu.memory_space<vmem>>, vector<16xi32>,
    %swap3A_10 = vector.shape_cast %swap3A_9 : vector<16xi32> to vector<16xi32>
    %swap3A_11 = vector.shape_cast %and3A_8 : vector<16xi32> to vector<16xi32>
    tpu.vector_store %arg7[%swap3A], %swap3A_11 {strides = array<i32>} : memref<128xi32, #tpu.memory_space<vmem>>, vector<16xi32>,
    %shift_right_logical3A = arith.constant 16 : i32
    %shift_right_logical3A_12 = vector.broadcast %shift_right_logical3A : i32 to vector<16xi32>
    %shift_right_logical3A_13 = arith.shrui %get3A_6, %shift_right_logical3A_12 : vector<16xi32>
    %swap3A_14 = arith.constant 0 : index
    %swap3A_15 = tpu.vector_load %arg8[%swap3A_14] {strides = array<i32>} : memref<128xi32, #tpu.memory_space<vmem>>, vector<16xi32>,
    %swap3A_16 = vector.shape_cast %swap3A_15 : vector<16xi32> to vector<16xi32>
    %swap3A_17 = vector.shape_cast %shift_right_logical3A_13 : vector<16xi32> to vector<16xi32>
    tpu.vector_store %arg8[%swap3A_14], %swap3A_17 {strides = array<i32>} : memref<128xi32, #tpu.memory_space<vmem>>, vector<16xi32>,
    %get3A_18 = arith.constant 0 : i32
    %get3A_19 = arith.index_cast %get3A_18 : i32 to index
    %get3A_20 = arith.constant 16 : index
    %get3A_21 = tpu.vector_load %arg6[%get3A_19, %get3A_20] {strides = array<i32>} : memref<79x128xi32, #tpu.memory_space<vmem>>, vector<1x16xi32>,
    %get3A_22 = vector.shape_cast %get3A_21 : vector<1x16xi32> to vector<16xi32>
    %and3A_23 = arith.constant 65535 : i32
    %and3A_24 = vector.broadcast %and3A_23 : i32 to vector<16xi32>
    %and3A_25 = arith.andi %get3A_22, %and3A_24 : vector<16xi32>
    %swap3A_26 = arith.constant 16 : index
    %swap3A_27 = tpu.vector_load %arg7[%swap3A_26] {strides = array<i32>} : memref<128xi32, #tpu.memory_space<vmem>>, vector<16xi32>,
    %swap3A_28 = vector.shape_cast %swap3A_27 : vector<16xi32> to vector<16xi32>
    %swap3A_29 = vector.shape_cast %and3A_25 : vector<16xi32> to vector<16xi32>
    tpu.vector_store %arg7[%swap3A_26], %swap3A_29 {strides = array<i32>} : memref<128xi32, #tpu.memory_space<vmem>>, vector<16xi32>,
    %shift_right_logical3A_30 = arith.constant 16 : i32
    %shift_right_logical3A_31 = vector.broadcast %shift_right_logical3A_30 : i32 to vector<16xi32>
    %shift_right_logical3A_32 = arith.shrui %get3A_22, %shift_right_logical3A_31 : vector<16xi32>
    %swap3A_33 = arith.constant 16 : index
    %swap3A_34 = tpu.vector_load %arg8[%swap3A_33] {strides = array<i32>} : memref<128xi32, #tpu.memory_space<vmem>>, vector<16xi32>,
    %swap3A_35 = vector.shape_cast %swap3A_34 : vector<16xi32> to vector<16xi32>
    %swap3A_36 = vector.shape_cast %shift_right_logical3A_32 : vector<16xi32> to vector<16xi32>
    tpu.vector_store %arg8[%swap3A_33], %swap3A_36 {strides = array<i32>} : memref<128xi32, #tpu.memory_space<vmem>>, vector<16xi32>,
    %get3A_37 = arith.constant 0 : i32
    %get3A_38 = arith.index_cast %get3A_37 : i32 to index
    %get3A_39 = arith.constant 32 : index
    %get3A_40 = tpu.vector_load %arg6[%get3A_38, %get3A_39] {strides = array<i32>} : memref<79x128xi32, #tpu.memory_space<vmem>>, vector<1x16xi32>,
    %get3A_41 = vector.shape_cast %get3A_40 : vector<1x16xi32> to vector<16xi32>
    %and3A_42 = arith.constant 65535 : i32
    %and3A_43 = vector.broadcast %and3A_42 : i32 to vector<16xi32>
    %and3A_44 = arith.andi %get3A_41, %and3A_43 : vector<16xi32>
    %swap3A_45 = arith.constant 32 : index
    %swap3A_46 = tpu.vector_load %arg7[%swap3A_45] {strides = array<i32>} : memref<128xi32, #tpu.memory_space<vmem>>, vector<16xi32>,
    %swap3A_47 = vector.shape_cast %swap3A_46 : vector<16xi32> to vector<16xi32>
    %swap3A_48 = vector.shape_cast %and3A_44 : vector<16xi32> to vector<16xi32>
    tpu.vector_store %arg7[%swap3A_45], %swap3A_48 {strides = array<i32>} : memref<128xi32, #tpu.memory_space<vmem>>, vector<16xi32>,
    %shift_right_logical3A_49 = arith.constant 16 : i32
    %shift_right_logical3A_50 = vector.broadcast %shift_right_logical3A_49 : i32 to vector<16xi32>
    %shift_right_logical3A_51 = arith.shrui %get3A_41, %shift_right_logical3A_50 : vector<16xi32>
    %swap3A_52 = arith.constant 32 : index
    %swap3A_53 = tpu.vector_load %arg8[%swap3A_52] {strides = array<i32>} : memref<128xi32, #tpu.memory_space<vmem>>, vector<16xi32>,
    %swap3A_54 = vector.shape_cast %swap3A_53 : vector<16xi32> to vector<16xi32>
    %swap3A_55 = vector.shape_cast %shift_right_logical3A_51 : vector<16xi32> to vector<16xi32>
    tpu.vector_store %arg8[%swap3A_52], %swap3A_55 {strides = array<i32>} : memref<128xi32, #tpu.memory_space<vmem>>, vector<16xi32>,
    %get3A_56 = arith.constant 0 : i32
    %get3A_57 = arith.index_cast %get3A_56 : i32 to index
    %get3A_58 = arith.constant 48 : index
    %get3A_59 = tpu.vector_load %arg6[%get3A_57, %get3A_58] {strides = array<i32>} : memref<79x128xi32, #tpu.memory_space<vmem>>, vector<1x16xi32>,
    %get3A_60 = vector.shape_cast %get3A_59 : vector<1x16xi32> to vector<16xi32>
    %and3A_61 = arith.constant 65535 : i32
    %and3A_62 = vector.broadcast %and3A_61 : i32 to vector<16xi32>
    %and3A_63 = arith.andi %get3A_60, %and3A_62 : vector<16xi32>
    %swap3A_64 = arith.constant 48 : index
    %swap3A_65 = tpu.vector_load %arg7[%swap3A_64] {strides = array<i32>} : memref<128xi32, #tpu.memory_space<vmem>>, vector<16xi32>,
    %swap3A_66 = vector.shape_cast %swap3A_65 : vector<16xi32> to vector<16xi32>
    %swap3A_67 = vector.shape_cast %and3A_63 : vector<16xi32> to vector<16xi32>
    tpu.vector_store %arg7[%swap3A_64], %swap3A_67 {strides = array<i32>} : memref<128xi32, #tpu.memory_space<vmem>>, vector<16xi32>,
    %shift_right_logical3A_68 = arith.constant 16 : i32
    %shift_right_logical3A_69 = vector.broadcast %shift_right_logical3A_68 : i32 to vector<16xi32>
    %shift_right_logical3A_70 = arith.shrui %get3A_60, %shift_right_logical3A_69 : vector<16xi32>
    %swap3A_71 = arith.constant 48 : index
    %swap3A_72 = tpu.vector_load %arg8[%swap3A_71] {strides = array<i32>} : memref<128xi32, #tpu.memory_space<vmem>>, vector<16xi32>,
    %swap3A_73 = vector.shape_cast %swap3A_72 : vector<16xi32> to vector<16xi32>
    %swap3A_74 = vector.shape_cast %shift_right_logical3A_70 : vector<16xi32> to vector<16xi32>
    tpu.vector_store %arg8[%swap3A_71], %swap3A_74 {strides = array<i32>} : memref<128xi32, #tpu.memory_space<vmem>>, vector<16xi32>,
    %get3A_75 = arith.constant 0 : i32
    %get3A_76 = arith.index_cast %get3A_75 : i32 to index
    %get3A_77 = arith.constant 64 : index
    %get3A_78 = tpu.vector_load %arg6[%get3A_76, %get3A_77] {strides = array<i32>} : memref<79x128xi32, #tpu.memory_space<vmem>>, vector<1x16xi32>,
    %get3A_79 = vector.shape_cast %get3A_78 : vector<1x16xi32> to vector<16xi32>
    %and3A_80 = arith.constant 65535 : i32
    %and3A_81 = vector.broadcast %and3A_80 : i32 to vector<16xi32>
    %and3A_82 = arith.andi %get3A_79, %and3A_81 : vector<16xi32>
    %swap3A_83 = arith.constant 64 : index
    %swap3A_84 = tpu.vector_load %arg7[%swap3A_83] {strides = array<i32>} : memref<128xi32, #tpu.memory_space<vmem>>, vector<16xi32>,
    %swap3A_85 = vector.shape_cast %swap3A_84 : vector<16xi32> to vector<16xi32>
    %swap3A_86 = vector.shape_cast %and3A_82 : vector<16xi32> to vector<16xi32>
    tpu.vector_store %arg7[%swap3A_83], %swap3A_86 {strides = array<i32>} : memref<128xi32, #tpu.memory_space<vmem>>, vector<16xi32>,
    %shift_right_logical3A_87 = arith.constant 16 : i32
    %shift_right_logical3A_88 = vector.broadcast %shift_right_logical3A_87 : i32 to vector<16xi32>
    %shift_right_logical3A_89 = arith.shrui %get3A_79, %shift_right_logical3A_88 : vector<16xi32>
    %swap3A_90 = arith.constant 64 : index
    %swap3A_91 = tpu.vector_load %arg8[%swap3A_90] {strides = array<i32>} : memref<128xi32, #tpu.memory_space<vmem>>, vector<16xi32>,
    %swap3A_92 = vector.shape_cast %swap3A_91 : vector<16xi32> to vector<16xi32>
    %swap3A_93 = vector.shape_cast %shift_right_logical3A_89 : vector<16xi32> to vector<16xi32>
    tpu.vector_store %arg8[%swap3A_90], %swap3A_93 {strides = array<i32>} : memref<128xi32, #tpu.memory_space<vmem>>, vector<16xi32>,
    %get3A_94 = arith.constant 0 : i32
    %get3A_95 = arith.index_cast %get3A_94 : i32 to index
    %get3A_96 = arith.constant 80 : index
    %get3A_97 = tpu.vector_load %arg6[%get3A_95, %get3A_96] {strides = array<i32>} : memref<79x128xi32, #tpu.memory_space<vmem>>, vector<1x16xi32>,
    %get3A_98 = vector.shape_cast %get3A_97 : vector<1x16xi32> to vector<16xi32>
    %and3A_99 = arith.constant 65535 : i32
    %and3A_100 = vector.broadcast %and3A_99 : i32 to vector<16xi32>
    %and3A_101 = arith.andi %get3A_98, %and3A_100 : vector<16xi32>
    %swap3A_102 = arith.constant 80 : index
    %swap3A_103 = tpu.vector_load %arg7[%swap3A_102] {strides = array<i32>} : memref<128xi32, #tpu.memory_space<vmem>>, vector<16xi32>,
    %swap3A_104 = vector.shape_cast %swap3A_103 : vector<16xi32> to vector<16xi32>
    %swap3A_105 = vector.shape_cast %and3A_101 : vector<16xi32> to vector<16xi32>
    tpu.vector_store %arg7[%swap3A_102], %swap3A_105 {strides = array<i32>} : memref<128xi32, #tpu.memory_space<vmem>>, vector<16xi32>,
    %shift_right_logical3A_106 = arith.constant 16 : i32
    %shift_right_logical3A_107 = vector.broadcast %shift_right_logical3A_106 : i32 to vector<16xi32>
    %shift_right_logical3A_108 = arith.shrui %get3A_98, %shift_right_logical3A_107 : vector<16xi32>
    %swap3A_109 = arith.constant 80 : index
    %swap3A_110 = tpu.vector_load %arg8[%swap3A_109] {strides = array<i32>} : memref<128xi32, #tpu.memory_space<vmem>>, vector<16xi32>,
    %swap3A_111 = vector.shape_cast %swap3A_110 : vector<16xi32> to vector<16xi32>
    %swap3A_112 = vector.shape_cast %shift_right_logical3A_108 : vector<16xi32> to vector<16xi32>
    tpu.vector_store %arg8[%swap3A_109], %swap3A_112 {strides = array<i32>} : memref<128xi32, #tpu.memory_space<vmem>>, vector<16xi32>,
    %get3A_113 = arith.constant 0 : i32
    %get3A_114 = arith.index_cast %get3A_113 : i32 to index
    %get3A_115 = arith.constant 96 : index
    %get3A_116 = tpu.vector_load %arg6[%get3A_114, %get3A_115] {strides = array<i32>} : memref<79x128xi32, #tpu.memory_space<vmem>>, vector<1x16xi32>,
    %get3A_117 = vector.shape_cast %get3A_116 : vector<1x16xi32> to vector<16xi32>
    %and3A_118 = arith.constant 65535 : i32
    %and3A_119 = vector.broadcast %and3A_118 : i32 to vector<16xi32>
    %and3A_120 = arith.andi %get3A_117, %and3A_119 : vector<16xi32>
    %swap3A_121 = arith.constant 96 : index
    %swap3A_122 = tpu.vector_load %arg7[%swap3A_121] {strides = array<i32>} : memref<128xi32, #tpu.memory_space<vmem>>, vector<16xi32>,
    %swap3A_123 = vector.shape_cast %swap3A_122 : vector<16xi32> to vector<16xi32>
    %swap3A_124 = vector.shape_cast %and3A_120 : vector<16xi32> to vector<16xi32>
    tpu.vector_store %arg7[%swap3A_121], %swap3A_124 {strides = array<i32>} : memref<128xi32, #tpu.memory_space<vmem>>, vector<16xi32>,
    %shift_right_logical3A_125 = arith.constant 16 : i32
    %shift_right_logical3A_126 = vector.broadcast %shift_right_logical3A_125 : i32 to vector<16xi32>
    %shift_right_logical3A_127 = arith.shrui %get3A_117, %shift_right_logical3A_126 : vector<16xi32>
    %swap3A_128 = arith.constant 96 : index
    %swap3A_129 = tpu.vector_load %arg8[%swap3A_128] {strides = array<i32>} : memref<128xi32, #tpu.memory_space<vmem>>, vector<16xi32>,
    %swap3A_130 = vector.shape_cast %swap3A_129 : vector<16xi32> to vector<16xi32>
    %swap3A_131 = vector.shape_cast %shift_right_logical3A_127 : vector<16xi32> to vector<16xi32>
    tpu.vector_store %arg8[%swap3A_128], %swap3A_131 {strides = array<i32>} : memref<128xi32, #tpu.memory_space<vmem>>, vector<16xi32>,
    %get3A_132 = arith.constant 0 : i32
    %get3A_133 = arith.index_cast %get3A_132 : i32 to index
    %get3A_134 = arith.constant 112 : index
    %get3A_135 = tpu.vector_load %arg6[%get3A_133, %get3A_134] {strides = array<i32>} : memref<79x128xi32, #tpu.memory_space<vmem>>, vector<1x16xi32>,
    %get3A_136 = vector.shape_cast %get3A_135 : vector<1x16xi32> to vector<16xi32>
    %and3A_137 = arith.constant 65535 : i32
    %and3A_138 = vector.broadcast %and3A_137 : i32 to vector<16xi32>
    %and3A_139 = arith.andi %get3A_136, %and3A_138 : vector<16xi32>
    %swap3A_140 = arith.constant 112 : index
    %swap3A_141 = tpu.vector_load %arg7[%swap3A_140] {strides = array<i32>} : memref<128xi32, #tpu.memory_space<vmem>>, vector<16xi32>,
    %swap3A_142 = vector.shape_cast %swap3A_141 : vector<16xi32> to vector<16xi32>
    %swap3A_143 = vector.shape_cast %and3A_139 : vector<16xi32> to vector<16xi32>
    tpu.vector_store %arg7[%swap3A_140], %swap3A_143 {strides = array<i32>} : memref<128xi32, #tpu.memory_space<vmem>>, vector<16xi32>,
    %shift_right_logical3A_144 = arith.constant 16 : i32
    %shift_right_logical3A_145 = vector.broadcast %shift_right_logical3A_144 : i32 to vector<16xi32>
    %shift_right_logical3A_146 = arith.shrui %get3A_136, %shift_right_logical3A_145 : vector<16xi32>
    %swap3A_147 = arith.constant 112 : index
    %swap3A_148 = tpu.vector_load %arg8[%swap3A_147] {strides = array<i32>} : memref<128xi32, #tpu.memory_space<vmem>>, vector<16xi32>,
    %swap3A_149 = vector.shape_cast %swap3A_148 : vector<16xi32> to vector<16xi32>
    %swap3A_150 = vector.shape_cast %shift_right_logical3A_146 : vector<16xi32> to vector<16xi32>
    tpu.vector_store %arg8[%swap3A_147], %swap3A_150 {strides = array<i32>} : memref<128xi32, #tpu.memory_space<vmem>>, vector<16xi32>,
    %dma_start3A = arith.constant 0 : i32
    %dma_start3A_151 = arith.constant 0 : i32
    %dma_start3A_152 = tpu.memref_slice %arg2[%dma_start3A, %dma_start3A_151] : memref<10000x128xf32, #tpu.memory_space<hbm>> -> memref<10000x128xf32, #tpu.memory_space<hbm>>
    tpu.enqueue_indirect_dma source(%dma_start3A_152 : memref<10000x128xf32, #tpu.memory_space<hbm>>) target(%arg11 : memref<128x128xf32, #tpu.memory_space<vmem>>) offsets(%arg7 : memref<128xi32, #tpu.memory_space<vmem>>) semaphore(%arg14 : memref<!tpu.dma_semaphore, #tpu.memory_space<semaphore_mem>>)
    %scan3A = arith.constant 0 : i32
    %scan3A_153 = arith.constant 0 : i32
    %scan3A_154 = arith.constant 39 : i32
    %scan3A_155 = arith.addi %scan3A_153, %scan3A_154 : i32
    %scan3A_156 = arith.constant 1 : i32
    scf.for %scan3A_165 = %scan3A_153 to %scan3A_155 step %scan3A_156  : i32 {
      %mul3A_166 = arith.constant 2 : i32
      %mul3A_167 = arith.muli %mul3A_166, %scan3A_165 : i32
      %add3A_168 = arith.constant 1 : i32
      %add3A_169 = arith.addi %mul3A_167, %add3A_168 : i32
      %get3A_170 = arith.index_cast %add3A_169 : i32 to index
      %get3A_171 = arith.constant 0 : index
      %get3A_172 = tpu.vector_load %arg6[%get3A_170, %get3A_171] {strides = array<i32>} : memref<79x128xi32, #tpu.memory_space<vmem>>, vector<1x16xi32>,
      %get3A_173 = vector.shape_cast %get3A_172 : vector<1x16xi32> to vector<16xi32>
      %and3A_174 = arith.constant 65535 : i32
      %and3A_175 = vector.broadcast %and3A_174 : i32 to vector<16xi32>
      %and3A_176 = arith.andi %get3A_173, %and3A_175 : vector<16xi32>
      %swap3A_177 = arith.constant 0 : index
      %swap3A_178 = tpu.vector_load %arg9[%swap3A_177] {strides = array<i32>} : memref<128xi32, #tpu.memory_space<vmem>>, vector<16xi32>,
      %swap3A_179 = vector.shape_cast %swap3A_178 : vector<16xi32> to vector<16xi32>
      %swap3A_180 = vector.shape_cast %and3A_176 : vector<16xi32> to vector<16xi32>
      tpu.vector_store %arg9[%swap3A_177], %swap3A_180 {strides = array<i32>} : memref<128xi32, #tpu.memory_space<vmem>>, vector<16xi32>,
      %shift_right_logical3A_181 = arith.constant 16 : i32
      %shift_right_logical3A_182 = vector.broadcast %shift_right_logical3A_181 : i32 to vector<16xi32>
      %shift_right_logical3A_183 = arith.shrui %get3A_173, %shift_right_logical3A_182 : vector<16xi32>
      %swap3A_184 = arith.constant 0 : index
      %swap3A_185 = tpu.vector_load %arg10[%swap3A_184] {strides = array<i32>} : memref<128xi32, #tpu.memory_space<vmem>>, vector<16xi32>,
      %swap3A_186 = vector.shape_cast %swap3A_185 : vector<16xi32> to vector<16xi32>
      %swap3A_187 = vector.shape_cast %shift_right_logical3A_183 : vector<16xi32> to vector<16xi32>
      tpu.vector_store %arg10[%swap3A_184], %swap3A_187 {strides = array<i32>} : memref<128xi32, #tpu.memory_space<vmem>>, vector<16xi32>,
      %get3A_188 = arith.index_cast %add3A_169 : i32 to index
      %get3A_189 = arith.constant 16 : index
      %get3A_190 = tpu.vector_load %arg6[%get3A_188, %get3A_189] {strides = array<i32>} : memref<79x128xi32, #tpu.memory_space<vmem>>, vector<1x16xi32>,
      %get3A_191 = vector.shape_cast %get3A_190 : vector<1x16xi32> to vector<16xi32>
      %and3A_192 = arith.constant 65535 : i32
      %and3A_193 = vector.broadcast %and3A_192 : i32 to vector<16xi32>
      %and3A_194 = arith.andi %get3A_191, %and3A_193 : vector<16xi32>
      %swap3A_195 = arith.constant 16 : index
      %swap3A_196 = tpu.vector_load %arg9[%swap3A_195] {strides = array<i32>} : memref<128xi32, #tpu.memory_space<vmem>>, vector<16xi32>,
      %swap3A_197 = vector.shape_cast %swap3A_196 : vector<16xi32> to vector<16xi32>
      %swap3A_198 = vector.shape_cast %and3A_194 : vector<16xi32> to vector<16xi32>
      tpu.vector_store %arg9[%swap3A_195], %swap3A_198 {strides = array<i32>} : memref<128xi32, #tpu.memory_space<vmem>>, vector<16xi32>,
      %shift_right_logical3A_199 = arith.constant 16 : i32
      %shift_right_logical3A_200 = vector.broadcast %shift_right_logical3A_199 : i32 to vector<16xi32>
      %shift_right_logical3A_201 = arith.shrui %get3A_191, %shift_right_logical3A_200 : vector<16xi32>
      %swap3A_202 = arith.constant 16 : index
      %swap3A_203 = tpu.vector_load %arg10[%swap3A_202] {strides = array<i32>} : memref<128xi32, #tpu.memory_space<vmem>>, vector<16xi32>,
      %swap3A_204 = vector.shape_cast %swap3A_203 : vector<16xi32> to vector<16xi32>
      %swap3A_205 = vector.shape_cast %shift_right_logical3A_201 : vector<16xi32> to vector<16xi32>
      tpu.vector_store %arg10[%swap3A_202], %swap3A_205 {strides = array<i32>} : memref<128xi32, #tpu.memory_space<vmem>>, vector<16xi32>,
      %get3A_206 = arith.index_cast %add3A_169 : i32 to index
      %get3A_207 = arith.constant 32 : index
      %get3A_208 = tpu.vector_load %arg6[%get3A_206, %get3A_207] {strides = array<i32>} : memref<79x128xi32, #tpu.memory_space<vmem>>, vector<1x16xi32>,
      %get3A_209 = vector.shape_cast %get3A_208 : vector<1x16xi32> to vector<16xi32>
      %and3A_210 = arith.constant 65535 : i32
      %and3A_211 = vector.broadcast %and3A_210 : i32 to vector<16xi32>
      %and3A_212 = arith.andi %get3A_209, %and3A_211 : vector<16xi32>
      %swap3A_213 = arith.constant 32 : index
      %swap3A_214 = tpu.vector_load %arg9[%swap3A_213] {strides = array<i32>} : memref<128xi32, #tpu.memory_space<vmem>>, vector<16xi32>,
      %swap3A_215 = vector.shape_cast %swap3A_214 : vector<16xi32> to vector<16xi32>
      %swap3A_216 = vector.shape_cast %and3A_212 : vector<16xi32> to vector<16xi32>
      tpu.vector_store %arg9[%swap3A_213], %swap3A_216 {strides = array<i32>} : memref<128xi32, #tpu.memory_space<vmem>>, vector<16xi32>,
      %shift_right_logical3A_217 = arith.constant 16 : i32
      %shift_right_logical3A_218 = vector.broadcast %shift_right_logical3A_217 : i32 to vector<16xi32>
      %shift_right_logical3A_219 = arith.shrui %get3A_209, %shift_right_logical3A_218 : vector<16xi32>
      %swap3A_220 = arith.constant 32 : index
      %swap3A_221 = tpu.vector_load %arg10[%swap3A_220] {strides = array<i32>} : memref<128xi32, #tpu.memory_space<vmem>>, vector<16xi32>,
      %swap3A_222 = vector.shape_cast %swap3A_221 : vector<16xi32> to vector<16xi32>
      %swap3A_223 = vector.shape_cast %shift_right_logical3A_219 : vector<16xi32> to vector<16xi32>
      tpu.vector_store %arg10[%swap3A_220], %swap3A_223 {strides = array<i32>} : memref<128xi32, #tpu.memory_space<vmem>>, vector<16xi32>,
      %get3A_224 = arith.index_cast %add3A_169 : i32 to index
      %get3A_225 = arith.constant 48 : index
      %get3A_226 = tpu.vector_load %arg6[%get3A_224, %get3A_225] {strides = array<i32>} : memref<79x128xi32, #tpu.memory_space<vmem>>, vector<1x16xi32>,
      %get3A_227 = vector.shape_cast %get3A_226 : vector<1x16xi32> to vector<16xi32>
      %and3A_228 = arith.constant 65535 : i32
      %and3A_229 = vector.broadcast %and3A_228 : i32 to vector<16xi32>
      %and3A_230 = arith.andi %get3A_227, %and3A_229 : vector<16xi32>
      %swap3A_231 = arith.constant 48 : index
      %swap3A_232 = tpu.vector_load %arg9[%swap3A_231] {strides = array<i32>} : memref<128xi32, #tpu.memory_space<vmem>>, vector<16xi32>,
      %swap3A_233 = vector.shape_cast %swap3A_232 : vector<16xi32> to vector<16xi32>
      %swap3A_234 = vector.shape_cast %and3A_230 : vector<16xi32> to vector<16xi32>
      tpu.vector_store %arg9[%swap3A_231], %swap3A_234 {strides = array<i32>} : memref<128xi32, #tpu.memory_space<vmem>>, vector<16xi32>,
      %shift_right_logical3A_235 = arith.constant 16 : i32
      %shift_right_logical3A_236 = vector.broadcast %shift_right_logical3A_235 : i32 to vector<16xi32>
      %shift_right_logical3A_237 = arith.shrui %get3A_227, %shift_right_logical3A_236 : vector<16xi32>
      %swap3A_238 = arith.constant 48 : index
      %swap3A_239 = tpu.vector_load %arg10[%swap3A_238] {strides = array<i32>} : memref<128xi32, #tpu.memory_space<vmem>>, vector<16xi32>,
      %swap3A_240 = vector.shape_cast %swap3A_239 : vector<16xi32> to vector<16xi32>
      %swap3A_241 = vector.shape_cast %shift_right_logical3A_237 : vector<16xi32> to vector<16xi32>
      tpu.vector_store %arg10[%swap3A_238], %swap3A_241 {strides = array<i32>} : memref<128xi32, #tpu.memory_space<vmem>>, vector<16xi32>,
      %get3A_242 = arith.index_cast %add3A_169 : i32 to index
      %get3A_243 = arith.constant 64 : index
      %get3A_244 = tpu.vector_load %arg6[%get3A_242, %get3A_243] {strides = array<i32>} : memref<79x128xi32, #tpu.memory_space<vmem>>, vector<1x16xi32>,
      %get3A_245 = vector.shape_cast %get3A_244 : vector<1x16xi32> to vector<16xi32>
      %and3A_246 = arith.constant 65535 : i32
      %and3A_247 = vector.broadcast %and3A_246 : i32 to vector<16xi32>
      %and3A_248 = arith.andi %get3A_245, %and3A_247 : vector<16xi32>
      %swap3A_249 = arith.constant 64 : index
      %swap3A_250 = tpu.vector_load %arg9[%swap3A_249] {strides = array<i32>} : memref<128xi32, #tpu.memory_space<vmem>>, vector<16xi32>,
      %swap3A_251 = vector.shape_cast %swap3A_250 : vector<16xi32> to vector<16xi32>
      %swap3A_252 = vector.shape_cast %and3A_248 : vector<16xi32> to vector<16xi32>
      tpu.vector_store %arg9[%swap3A_249], %swap3A_252 {strides = array<i32>} : memref<128xi32, #tpu.memory_space<vmem>>, vector<16xi32>,
      %shift_right_logical3A_253 = arith.constant 16 : i32
      %shift_right_logical3A_254 = vector.broadcast %shift_right_logical3A_253 : i32 to vector<16xi32>
      %shift_right_logical3A_255 = arith.shrui %get3A_245, %shift_right_logical3A_254 : vector<16xi32>
      %swap3A_256 = arith.constant 64 : index
      %swap3A_257 = tpu.vector_load %arg10[%swap3A_256] {strides = array<i32>} : memref<128xi32, #tpu.memory_space<vmem>>, vector<16xi32>,
      %swap3A_258 = vector.shape_cast %swap3A_257 : vector<16xi32> to vector<16xi32>
      %swap3A_259 = vector.shape_cast %shift_right_logical3A_255 : vector<16xi32> to vector<16xi32>
      tpu.vector_store %arg10[%swap3A_256], %swap3A_259 {strides = array<i32>} : memref<128xi32, #tpu.memory_space<vmem>>, vector<16xi32>,
      %get3A_260 = arith.index_cast %add3A_169 : i32 to index
      %get3A_261 = arith.constant 80 : index
      %get3A_262 = tpu.vector_load %arg6[%get3A_260, %get3A_261] {strides = array<i32>} : memref<79x128xi32, #tpu.memory_space<vmem>>, vector<1x16xi32>,
      %get3A_263 = vector.shape_cast %get3A_262 : vector<1x16xi32> to vector<16xi32>
      %and3A_264 = arith.constant 65535 : i32
      %and3A_265 = vector.broadcast %and3A_264 : i32 to vector<16xi32>
      %and3A_266 = arith.andi %get3A_263, %and3A_265 : vector<16xi32>
      %swap3A_267 = arith.constant 80 : index
      %swap3A_268 = tpu.vector_load %arg9[%swap3A_267] {strides = array<i32>} : memref<128xi32, #tpu.memory_space<vmem>>, vector<16xi32>,
      %swap3A_269 = vector.shape_cast %swap3A_268 : vector<16xi32> to vector<16xi32>
      %swap3A_270 = vector.shape_cast %and3A_266 : vector<16xi32> to vector<16xi32>
      tpu.vector_store %arg9[%swap3A_267], %swap3A_270 {strides = array<i32>} : memref<128xi32, #tpu.memory_space<vmem>>, vector<16xi32>,
      %shift_right_logical3A_271 = arith.constant 16 : i32
      %shift_right_logical3A_272 = vector.broadcast %shift_right_logical3A_271 : i32 to vector<16xi32>
      %shift_right_logical3A_273 = arith.shrui %get3A_263, %shift_right_logical3A_272 : vector<16xi32>
      %swap3A_274 = arith.constant 80 : index
      %swap3A_275 = tpu.vector_load %arg10[%swap3A_274] {strides = array<i32>} : memref<128xi32, #tpu.memory_space<vmem>>, vector<16xi32>,
      %swap3A_276 = vector.shape_cast %swap3A_275 : vector<16xi32> to vector<16xi32>
      %swap3A_277 = vector.shape_cast %shift_right_logical3A_273 : vector<16xi32> to vector<16xi32>
      tpu.vector_store %arg10[%swap3A_274], %swap3A_277 {strides = array<i32>} : memref<128xi32, #tpu.memory_space<vmem>>, vector<16xi32>,
      %get3A_278 = arith.index_cast %add3A_169 : i32 to index
      %get3A_279 = arith.constant 96 : index
      %get3A_280 = tpu.vector_load %arg6[%get3A_278, %get3A_279] {strides = array<i32>} : memref<79x128xi32, #tpu.memory_space<vmem>>, vector<1x16xi32>,
      %get3A_281 = vector.shape_cast %get3A_280 : vector<1x16xi32> to vector<16xi32>
      %and3A_282 = arith.constant 65535 : i32
      %and3A_283 = vector.broadcast %and3A_282 : i32 to vector<16xi32>
      %and3A_284 = arith.andi %get3A_281, %and3A_283 : vector<16xi32>
      %swap3A_285 = arith.constant 96 : index
      %swap3A_286 = tpu.vector_load %arg9[%swap3A_285] {strides = array<i32>} : memref<128xi32, #tpu.memory_space<vmem>>, vector<16xi32>,
      %swap3A_287 = vector.shape_cast %swap3A_286 : vector<16xi32> to vector<16xi32>
      %swap3A_288 = vector.shape_cast %and3A_284 : vector<16xi32> to vector<16xi32>
      tpu.vector_store %arg9[%swap3A_285], %swap3A_288 {strides = array<i32>} : memref<128xi32, #tpu.memory_space<vmem>>, vector<16xi32>,
      %shift_right_logical3A_289 = arith.constant 16 : i32
      %shift_right_logical3A_290 = vector.broadcast %shift_right_logical3A_289 : i32 to vector<16xi32>
      %shift_right_logical3A_291 = arith.shrui %get3A_281, %shift_right_logical3A_290 : vector<16xi32>
      %swap3A_292 = arith.constant 96 : index
      %swap3A_293 = tpu.vector_load %arg10[%swap3A_292] {strides = array<i32>} : memref<128xi32, #tpu.memory_space<vmem>>, vector<16xi32>,
      %swap3A_294 = vector.shape_cast %swap3A_293 : vector<16xi32> to vector<16xi32>
      %swap3A_295 = vector.shape_cast %shift_right_logical3A_291 : vector<16xi32> to vector<16xi32>
      tpu.vector_store %arg10[%swap3A_292], %swap3A_295 {strides = array<i32>} : memref<128xi32, #tpu.memory_space<vmem>>, vector<16xi32>,
      %get3A_296 = arith.index_cast %add3A_169 : i32 to index
      %get3A_297 = arith.constant 112 : index
      %get3A_298 = tpu.vector_load %arg6[%get3A_296, %get3A_297] {strides = array<i32>} : memref<79x128xi32, #tpu.memory_space<vmem>>, vector<1x16xi32>,
      %get3A_299 = vector.shape_cast %get3A_298 : vector<1x16xi32> to vector<16xi32>
      %and3A_300 = arith.constant 65535 : i32
      %and3A_301 = vector.broadcast %and3A_300 : i32 to vector<16xi32>
      %and3A_302 = arith.andi %get3A_299, %and3A_301 : vector<16xi32>
      %swap3A_303 = arith.constant 112 : index
      %swap3A_304 = tpu.vector_load %arg9[%swap3A_303] {strides = array<i32>} : memref<128xi32, #tpu.memory_space<vmem>>, vector<16xi32>,
      %swap3A_305 = vector.shape_cast %swap3A_304 : vector<16xi32> to vector<16xi32>
      %swap3A_306 = vector.shape_cast %and3A_302 : vector<16xi32> to vector<16xi32>
      tpu.vector_store %arg9[%swap3A_303], %swap3A_306 {strides = array<i32>} : memref<128xi32, #tpu.memory_space<vmem>>, vector<16xi32>,
      %shift_right_logical3A_307 = arith.constant 16 : i32
      %shift_right_logical3A_308 = vector.broadcast %shift_right_logical3A_307 : i32 to vector<16xi32>
      %shift_right_logical3A_309 = arith.shrui %get3A_299, %shift_right_logical3A_308 : vector<16xi32>
      %swap3A_310 = arith.constant 112 : index
      %swap3A_311 = tpu.vector_load %arg10[%swap3A_310] {strides = array<i32>} : memref<128xi32, #tpu.memory_space<vmem>>, vector<16xi32>,
      %swap3A_312 = vector.shape_cast %swap3A_311 : vector<16xi32> to vector<16xi32>
      %swap3A_313 = vector.shape_cast %shift_right_logical3A_309 : vector<16xi32> to vector<16xi32>
      tpu.vector_store %arg10[%swap3A_310], %swap3A_313 {strides = array<i32>} : memref<128xi32, #tpu.memory_space<vmem>>, vector<16xi32>,
      %dma_start3A_314 = arith.constant 0 : i32
      %dma_start3A_315 = arith.constant 0 : i32
      %dma_start3A_316 = tpu.memref_slice %arg2[%dma_start3A_314, %dma_start3A_315] : memref<10000x128xf32, #tpu.memory_space<hbm>> -> memref<10000x128xf32, #tpu.memory_space<hbm>>
      tpu.enqueue_indirect_dma source(%dma_start3A_316 : memref<10000x128xf32, #tpu.memory_space<hbm>>) target(%arg12 : memref<128x128xf32, #tpu.memory_space<vmem>>) offsets(%arg9 : memref<128xi32, #tpu.memory_space<vmem>>) semaphore(%arg15 : memref<!tpu.dma_semaphore, #tpu.memory_space<semaphore_mem>>)
      %dma_wait3A_317 = arith.constant 0 : i32
      %dma_wait3A_318 = arith.constant 0 : i32
      %dma_wait3A_319 = tpu.memref_slice %arg2[%dma_wait3A_317, %dma_wait3A_318] : memref<10000x128xf32, #tpu.memory_space<hbm>> -> memref<10000x128xf32, #tpu.memory_space<hbm>>
      tpu.wait_indirect_dma semaphore(%arg14 : memref<!tpu.dma_semaphore, #tpu.memory_space<semaphore_mem>>) src(%dma_wait3A_319 : memref<10000x128xf32, #tpu.memory_space<hbm>>) dst(%arg11 : memref<128x128xf32, #tpu.memory_space<vmem>>)
      "tpu.region"() ({
        %run_scoped3A = tpu.sem_alloc : memref<!tpu.dma_semaphore, #tpu.memory_space<semaphore_mem>>
        %dma_start3A_472 = arith.constant 0 : i32
        %dma_start3A_473 = arith.constant 0 : i32
        %dma_start3A_474 = tpu.memref_slice %arg13[%dma_start3A_472, %dma_start3A_473] : memref<10240x128xf32, #tpu.memory_space<vmem_shared>> -> memref<10240x128xf32, #tpu.memory_space<vmem_shared>>
        tpu.enqueue_indirect_dma source(%arg11 : memref<128x128xf32, #tpu.memory_space<vmem>>) target(%dma_start3A_474 : memref<10240x128xf32, #tpu.memory_space<vmem_shared>>) offsets(%arg8 : memref<128xi32, #tpu.memory_space<vmem>>) semaphore(%run_scoped3A : memref<!tpu.dma_semaphore, #tpu.memory_space<semaphore_mem>>) {add = true}
        %dma_wait3A_475 = arith.constant 0 : i32
        %dma_wait3A_476 = arith.constant 0 : i32
        %dma_wait3A_477 = tpu.memref_slice %arg13[%dma_wait3A_475, %dma_wait3A_476] : memref<10240x128xf32, #tpu.memory_space<vmem_shared>> -> memref<10240x128xf32, #tpu.memory_space<vmem_shared>>
        tpu.wait_indirect_dma semaphore(%run_scoped3A : memref<!tpu.dma_semaphore, #tpu.memory_space<semaphore_mem>>) src(%arg11 : memref<128x128xf32, #tpu.memory_space<vmem>>) dst(%dma_wait3A_477 : memref<10240x128xf32, #tpu.memory_space<vmem_shared>>)
        tpu.yield
      }) : () -> ()
      %add3A_320 = arith.constant 2 : i32
      %add3A_321 = arith.addi %mul3A_167, %add3A_320 : i32
      %get3A_322 = arith.index_cast %add3A_321 : i32 to index
      %get3A_323 = arith.constant 0 : index
      %get3A_324 = tpu.vector_load %arg6[%get3A_322, %get3A_323] {strides = array<i32>} : memref<79x128xi32, #tpu.memory_space<vmem>>, vector<1x16xi32>,
      %get3A_325 = vector.shape_cast %get3A_324 : vector<1x16xi32> to vector<16xi32>
      %and3A_326 = arith.constant 65535 : i32
      %and3A_327 = vector.broadcast %and3A_326 : i32 to vector<16xi32>
      %and3A_328 = arith.andi %get3A_325, %and3A_327 : vector<16xi32>
      %swap3A_329 = arith.constant 0 : index
      %swap3A_330 = tpu.vector_load %arg7[%swap3A_329] {strides = array<i32>} : memref<128xi32, #tpu.memory_space<vmem>>, vector<16xi32>,
      %swap3A_331 = vector.shape_cast %swap3A_330 : vector<16xi32> to vector<16xi32>
      %swap3A_332 = vector.shape_cast %and3A_328 : vector<16xi32> to vector<16xi32>
      tpu.vector_store %arg7[%swap3A_329], %swap3A_332 {strides = array<i32>} : memref<128xi32, #tpu.memory_space<vmem>>, vector<16xi32>,
      %shift_right_logical3A_333 = arith.constant 16 : i32
      %shift_right_logical3A_334 = vector.broadcast %shift_right_logical3A_333 : i32 to vector<16xi32>
      %shift_right_logical3A_335 = arith.shrui %get3A_325, %shift_right_logical3A_334 : vector<16xi32>
      %swap3A_336 = arith.constant 0 : index
      %swap3A_337 = tpu.vector_load %arg8[%swap3A_336] {strides = array<i32>} : memref<128xi32, #tpu.memory_space<vmem>>, vector<16xi32>,
      %swap3A_338 = vector.shape_cast %swap3A_337 : vector<16xi32> to vector<16xi32>
      %swap3A_339 = vector.shape_cast %shift_right_logical3A_335 : vector<16xi32> to vector<16xi32>
      tpu.vector_store %arg8[%swap3A_336], %swap3A_339 {strides = array<i32>} : memref<128xi32, #tpu.memory_space<vmem>>, vector<16xi32>,
      %get3A_340 = arith.index_cast %add3A_321 : i32 to index
      %get3A_341 = arith.constant 16 : index
      %get3A_342 = tpu.vector_load %arg6[%get3A_340, %get3A_341] {strides = array<i32>} : memref<79x128xi32, #tpu.memory_space<vmem>>, vector<1x16xi32>,
      %get3A_343 = vector.shape_cast %get3A_342 : vector<1x16xi32> to vector<16xi32>
      %and3A_344 = arith.constant 65535 : i32
      %and3A_345 = vector.broadcast %and3A_344 : i32 to vector<16xi32>
      %and3A_346 = arith.andi %get3A_343, %and3A_345 : vector<16xi32>
      %swap3A_347 = arith.constant 16 : index
      %swap3A_348 = tpu.vector_load %arg7[%swap3A_347] {strides = array<i32>} : memref<128xi32, #tpu.memory_space<vmem>>, vector<16xi32>,
      %swap3A_349 = vector.shape_cast %swap3A_348 : vector<16xi32> to vector<16xi32>
      %swap3A_350 = vector.shape_cast %and3A_346 : vector<16xi32> to vector<16xi32>
      tpu.vector_store %arg7[%swap3A_347], %swap3A_350 {strides = array<i32>} : memref<128xi32, #tpu.memory_space<vmem>>, vector<16xi32>,
      %shift_right_logical3A_351 = arith.constant 16 : i32
      %shift_right_logical3A_352 = vector.broadcast %shift_right_logical3A_351 : i32 to vector<16xi32>
      %shift_right_logical3A_353 = arith.shrui %get3A_343, %shift_right_logical3A_352 : vector<16xi32>
      %swap3A_354 = arith.constant 16 : index
      %swap3A_355 = tpu.vector_load %arg8[%swap3A_354] {strides = array<i32>} : memref<128xi32, #tpu.memory_space<vmem>>, vector<16xi32>,
      %swap3A_356 = vector.shape_cast %swap3A_355 : vector<16xi32> to vector<16xi32>
      %swap3A_357 = vector.shape_cast %shift_right_logical3A_353 : vector<16xi32> to vector<16xi32>
      tpu.vector_store %arg8[%swap3A_354], %swap3A_357 {strides = array<i32>} : memref<128xi32, #tpu.memory_space<vmem>>, vector<16xi32>,
      %get3A_358 = arith.index_cast %add3A_321 : i32 to index
      %get3A_359 = arith.constant 32 : index
      %get3A_360 = tpu.vector_load %arg6[%get3A_358, %get3A_359] {strides = array<i32>} : memref<79x128xi32, #tpu.memory_space<vmem>>, vector<1x16xi32>,
      %get3A_361 = vector.shape_cast %get3A_360 : vector<1x16xi32> to vector<16xi32>
      %and3A_362 = arith.constant 65535 : i32
      %and3A_363 = vector.broadcast %and3A_362 : i32 to vector<16xi32>
      %and3A_364 = arith.andi %get3A_361, %and3A_363 : vector<16xi32>
      %swap3A_365 = arith.constant 32 : index
      %swap3A_366 = tpu.vector_load %arg7[%swap3A_365] {strides = array<i32>} : memref<128xi32, #tpu.memory_space<vmem>>, vector<16xi32>,
      %swap3A_367 = vector.shape_cast %swap3A_366 : vector<16xi32> to vector<16xi32>
      %swap3A_368 = vector.shape_cast %and3A_364 : vector<16xi32> to vector<16xi32>
      tpu.vector_store %arg7[%swap3A_365], %swap3A_368 {strides = array<i32>} : memref<128xi32, #tpu.memory_space<vmem>>, vector<16xi32>,
      %shift_right_logical3A_369 = arith.constant 16 : i32
      %shift_right_logical3A_370 = vector.broadcast %shift_right_logical3A_369 : i32 to vector<16xi32>
      %shift_right_logical3A_371 = arith.shrui %get3A_361, %shift_right_logical3A_370 : vector<16xi32>
      %swap3A_372 = arith.constant 32 : index
      %swap3A_373 = tpu.vector_load %arg8[%swap3A_372] {strides = array<i32>} : memref<128xi32, #tpu.memory_space<vmem>>, vector<16xi32>,
      %swap3A_374 = vector.shape_cast %swap3A_373 : vector<16xi32> to vector<16xi32>
      %swap3A_375 = vector.shape_cast %shift_right_logical3A_371 : vector<16xi32> to vector<16xi32>
      tpu.vector_store %arg8[%swap3A_372], %swap3A_375 {strides = array<i32>} : memref<128xi32, #tpu.memory_space<vmem>>, vector<16xi32>,
      %get3A_376 = arith.index_cast %add3A_321 : i32 to index
      %get3A_377 = arith.constant 48 : index
      %get3A_378 = tpu.vector_load %arg6[%get3A_376, %get3A_377] {strides = array<i32>} : memref<79x128xi32, #tpu.memory_space<vmem>>, vector<1x16xi32>,
      %get3A_379 = vector.shape_cast %get3A_378 : vector<1x16xi32> to vector<16xi32>
      %and3A_380 = arith.constant 65535 : i32
      %and3A_381 = vector.broadcast %and3A_380 : i32 to vector<16xi32>
      %and3A_382 = arith.andi %get3A_379, %and3A_381 : vector<16xi32>
      %swap3A_383 = arith.constant 48 : index
      %swap3A_384 = tpu.vector_load %arg7[%swap3A_383] {strides = array<i32>} : memref<128xi32, #tpu.memory_space<vmem>>, vector<16xi32>,
      %swap3A_385 = vector.shape_cast %swap3A_384 : vector<16xi32> to vector<16xi32>
      %swap3A_386 = vector.shape_cast %and3A_382 : vector<16xi32> to vector<16xi32>
      tpu.vector_store %arg7[%swap3A_383], %swap3A_386 {strides = array<i32>} : memref<128xi32, #tpu.memory_space<vmem>>, vector<16xi32>,
      %shift_right_logical3A_387 = arith.constant 16 : i32
      %shift_right_logical3A_388 = vector.broadcast %shift_right_logical3A_387 : i32 to vector<16xi32>
      %shift_right_logical3A_389 = arith.shrui %get3A_379, %shift_right_logical3A_388 : vector<16xi32>
      %swap3A_390 = arith.constant 48 : index
      %swap3A_391 = tpu.vector_load %arg8[%swap3A_390] {strides = array<i32>} : memref<128xi32, #tpu.memory_space<vmem>>, vector<16xi32>,
      %swap3A_392 = vector.shape_cast %swap3A_391 : vector<16xi32> to vector<16xi32>
      %swap3A_393 = vector.shape_cast %shift_right_logical3A_389 : vector<16xi32> to vector<16xi32>
      tpu.vector_store %arg8[%swap3A_390], %swap3A_393 {strides = array<i32>} : memref<128xi32, #tpu.memory_space<vmem>>, vector<16xi32>,
      %get3A_394 = arith.index_cast %add3A_321 : i32 to index
      %get3A_395 = arith.constant 64 : index
      %get3A_396 = tpu.vector_load %arg6[%get3A_394, %get3A_395] {strides = array<i32>} : memref<79x128xi32, #tpu.memory_space<vmem>>, vector<1x16xi32>,
      %get3A_397 = vector.shape_cast %get3A_396 : vector<1x16xi32> to vector<16xi32>
      %and3A_398 = arith.constant 65535 : i32
      %and3A_399 = vector.broadcast %and3A_398 : i32 to vector<16xi32>
      %and3A_400 = arith.andi %get3A_397, %and3A_399 : vector<16xi32>
      %swap3A_401 = arith.constant 64 : index
      %swap3A_402 = tpu.vector_load %arg7[%swap3A_401] {strides = array<i32>} : memref<128xi32, #tpu.memory_space<vmem>>, vector<16xi32>,
      %swap3A_403 = vector.shape_cast %swap3A_402 : vector<16xi32> to vector<16xi32>
      %swap3A_404 = vector.shape_cast %and3A_400 : vector<16xi32> to vector<16xi32>
      tpu.vector_store %arg7[%swap3A_401], %swap3A_404 {strides = array<i32>} : memref<128xi32, #tpu.memory_space<vmem>>, vector<16xi32>,
      %shift_right_logical3A_405 = arith.constant 16 : i32
      %shift_right_logical3A_406 = vector.broadcast %shift_right_logical3A_405 : i32 to vector<16xi32>
      %shift_right_logical3A_407 = arith.shrui %get3A_397, %shift_right_logical3A_406 : vector<16xi32>
      %swap3A_408 = arith.constant 64 : index
      %swap3A_409 = tpu.vector_load %arg8[%swap3A_408] {strides = array<i32>} : memref<128xi32, #tpu.memory_space<vmem>>, vector<16xi32>,
      %swap3A_410 = vector.shape_cast %swap3A_409 : vector<16xi32> to vector<16xi32>
      %swap3A_411 = vector.shape_cast %shift_right_logical3A_407 : vector<16xi32> to vector<16xi32>
      tpu.vector_store %arg8[%swap3A_408], %swap3A_411 {strides = array<i32>} : memref<128xi32, #tpu.memory_space<vmem>>, vector<16xi32>,
      %get3A_412 = arith.index_cast %add3A_321 : i32 to index
      %get3A_413 = arith.constant 80 : index
      %get3A_414 = tpu.vector_load %arg6[%get3A_412, %get3A_413] {strides = array<i32>} : memref<79x128xi32, #tpu.memory_space<vmem>>, vector<1x16xi32>,
      %get3A_415 = vector.shape_cast %get3A_414 : vector<1x16xi32> to vector<16xi32>
      %and3A_416 = arith.constant 65535 : i32
      %and3A_417 = vector.broadcast %and3A_416 : i32 to vector<16xi32>
      %and3A_418 = arith.andi %get3A_415, %and3A_417 : vector<16xi32>
      %swap3A_419 = arith.constant 80 : index
      %swap3A_420 = tpu.vector_load %arg7[%swap3A_419] {strides = array<i32>} : memref<128xi32, #tpu.memory_space<vmem>>, vector<16xi32>,
      %swap3A_421 = vector.shape_cast %swap3A_420 : vector<16xi32> to vector<16xi32>
      %swap3A_422 = vector.shape_cast %and3A_418 : vector<16xi32> to vector<16xi32>
      tpu.vector_store %arg7[%swap3A_419], %swap3A_422 {strides = array<i32>} : memref<128xi32, #tpu.memory_space<vmem>>, vector<16xi32>,
      %shift_right_logical3A_423 = arith.constant 16 : i32
      %shift_right_logical3A_424 = vector.broadcast %shift_right_logical3A_423 : i32 to vector<16xi32>
      %shift_right_logical3A_425 = arith.shrui %get3A_415, %shift_right_logical3A_424 : vector<16xi32>
      %swap3A_426 = arith.constant 80 : index
      %swap3A_427 = tpu.vector_load %arg8[%swap3A_426] {strides = array<i32>} : memref<128xi32, #tpu.memory_space<vmem>>, vector<16xi32>,
      %swap3A_428 = vector.shape_cast %swap3A_427 : vector<16xi32> to vector<16xi32>
      %swap3A_429 = vector.shape_cast %shift_right_logical3A_425 : vector<16xi32> to vector<16xi32>
      tpu.vector_store %arg8[%swap3A_426], %swap3A_429 {strides = array<i32>} : memref<128xi32, #tpu.memory_space<vmem>>, vector<16xi32>,
      %get3A_430 = arith.index_cast %add3A_321 : i32 to index
      %get3A_431 = arith.constant 96 : index
      %get3A_432 = tpu.vector_load %arg6[%get3A_430, %get3A_431] {strides = array<i32>} : memref<79x128xi32, #tpu.memory_space<vmem>>, vector<1x16xi32>,
      %get3A_433 = vector.shape_cast %get3A_432 : vector<1x16xi32> to vector<16xi32>
      %and3A_434 = arith.constant 65535 : i32
      %and3A_435 = vector.broadcast %and3A_434 : i32 to vector<16xi32>
      %and3A_436 = arith.andi %get3A_433, %and3A_435 : vector<16xi32>
      %swap3A_437 = arith.constant 96 : index
      %swap3A_438 = tpu.vector_load %arg7[%swap3A_437] {strides = array<i32>} : memref<128xi32, #tpu.memory_space<vmem>>, vector<16xi32>,
      %swap3A_439 = vector.shape_cast %swap3A_438 : vector<16xi32> to vector<16xi32>
      %swap3A_440 = vector.shape_cast %and3A_436 : vector<16xi32> to vector<16xi32>
      tpu.vector_store %arg7[%swap3A_437], %swap3A_440 {strides = array<i32>} : memref<128xi32, #tpu.memory_space<vmem>>, vector<16xi32>,
      %shift_right_logical3A_441 = arith.constant 16 : i32
      %shift_right_logical3A_442 = vector.broadcast %shift_right_logical3A_441 : i32 to vector<16xi32>
      %shift_right_logical3A_443 = arith.shrui %get3A_433, %shift_right_logical3A_442 : vector<16xi32>
      %swap3A_444 = arith.constant 96 : index
      %swap3A_445 = tpu.vector_load %arg8[%swap3A_444] {strides = array<i32>} : memref<128xi32, #tpu.memory_space<vmem>>, vector<16xi32>,
      %swap3A_446 = vector.shape_cast %swap3A_445 : vector<16xi32> to vector<16xi32>
      %swap3A_447 = vector.shape_cast %shift_right_logical3A_443 : vector<16xi32> to vector<16xi32>
      tpu.vector_store %arg8[%swap3A_444], %swap3A_447 {strides = array<i32>} : memref<128xi32, #tpu.memory_space<vmem>>, vector<16xi32>,
      %get3A_448 = arith.index_cast %add3A_321 : i32 to index
      %get3A_449 = arith.constant 112 : index
      %get3A_450 = tpu.vector_load %arg6[%get3A_448, %get3A_449] {strides = array<i32>} : memref<79x128xi32, #tpu.memory_space<vmem>>, vector<1x16xi32>,
      %get3A_451 = vector.shape_cast %get3A_450 : vector<1x16xi32> to vector<16xi32>
      %and3A_452 = arith.constant 65535 : i32
      %and3A_453 = vector.broadcast %and3A_452 : i32 to vector<16xi32>
      %and3A_454 = arith.andi %get3A_451, %and3A_453 : vector<16xi32>
      %swap3A_455 = arith.constant 112 : index
      %swap3A_456 = tpu.vector_load %arg7[%swap3A_455] {strides = array<i32>} : memref<128xi32, #tpu.memory_space<vmem>>, vector<16xi32>,
      %swap3A_457 = vector.shape_cast %swap3A_456 : vector<16xi32> to vector<16xi32>
      %swap3A_458 = vector.shape_cast %and3A_454 : vector<16xi32> to vector<16xi32>
      tpu.vector_store %arg7[%swap3A_455], %swap3A_458 {strides = array<i32>} : memref<128xi32, #tpu.memory_space<vmem>>, vector<16xi32>,
      %shift_right_logical3A_459 = arith.constant 16 : i32
      %shift_right_logical3A_460 = vector.broadcast %shift_right_logical3A_459 : i32 to vector<16xi32>
      %shift_right_logical3A_461 = arith.shrui %get3A_451, %shift_right_logical3A_460 : vector<16xi32>
      %swap3A_462 = arith.constant 112 : index
      %swap3A_463 = tpu.vector_load %arg8[%swap3A_462] {strides = array<i32>} : memref<128xi32, #tpu.memory_space<vmem>>, vector<16xi32>,
      %swap3A_464 = vector.shape_cast %swap3A_463 : vector<16xi32> to vector<16xi32>
      %swap3A_465 = vector.shape_cast %shift_right_logical3A_461 : vector<16xi32> to vector<16xi32>
      tpu.vector_store %arg8[%swap3A_462], %swap3A_465 {strides = array<i32>} : memref<128xi32, #tpu.memory_space<vmem>>, vector<16xi32>,
      %dma_start3A_466 = arith.constant 0 : i32
      %dma_start3A_467 = arith.constant 0 : i32
      %dma_start3A_468 = tpu.memref_slice %arg2[%dma_start3A_466, %dma_start3A_467] : memref<10000x128xf32, #tpu.memory_space<hbm>> -> memref<10000x128xf32, #tpu.memory_space<hbm>>
      tpu.enqueue_indirect_dma source(%dma_start3A_468 : memref<10000x128xf32, #tpu.memory_space<hbm>>) target(%arg11 : memref<128x128xf32, #tpu.memory_space<vmem>>) offsets(%arg7 : memref<128xi32, #tpu.memory_space<vmem>>) semaphore(%arg14 : memref<!tpu.dma_semaphore, #tpu.memory_space<semaphore_mem>>)
      %dma_wait3A_469 = arith.constant 0 : i32
      %dma_wait3A_470 = arith.constant 0 : i32
      %dma_wait3A_471 = tpu.memref_slice %arg2[%dma_wait3A_469, %dma_wait3A_470] : memref<10000x128xf32, #tpu.memory_space<hbm>> -> memref<10000x128xf32, #tpu.memory_space<hbm>>
      tpu.wait_indirect_dma semaphore(%arg15 : memref<!tpu.dma_semaphore, #tpu.memory_space<semaphore_mem>>) src(%dma_wait3A_471 : memref<10000x128xf32, #tpu.memory_space<hbm>>) dst(%arg12 : memref<128x128xf32, #tpu.memory_space<vmem>>)
      "tpu.region"() ({
        %run_scoped3A = tpu.sem_alloc : memref<!tpu.dma_semaphore, #tpu.memory_space<semaphore_mem>>
        %dma_start3A_472 = arith.constant 0 : i32
        %dma_start3A_473 = arith.constant 0 : i32
        %dma_start3A_474 = tpu.memref_slice %arg13[%dma_start3A_472, %dma_start3A_473] : memref<10240x128xf32, #tpu.memory_space<vmem_shared>> -> memref<10240x128xf32, #tpu.memory_space<vmem_shared>>
        tpu.enqueue_indirect_dma source(%arg12 : memref<128x128xf32, #tpu.memory_space<vmem>>) target(%dma_start3A_474 : memref<10240x128xf32, #tpu.memory_space<vmem_shared>>) offsets(%arg10 : memref<128xi32, #tpu.memory_space<vmem>>) semaphore(%run_scoped3A : memref<!tpu.dma_semaphore, #tpu.memory_space<semaphore_mem>>) {add = true}
        %dma_wait3A_475 = arith.constant 0 : i32
        %dma_wait3A_476 = arith.constant 0 : i32
        %dma_wait3A_477 = tpu.memref_slice %arg13[%dma_wait3A_475, %dma_wait3A_476] : memref<10240x128xf32, #tpu.memory_space<vmem_shared>> -> memref<10240x128xf32, #tpu.memory_space<vmem_shared>>
        tpu.wait_indirect_dma semaphore(%run_scoped3A : memref<!tpu.dma_semaphore, #tpu.memory_space<semaphore_mem>>) src(%arg12 : memref<128x128xf32, #tpu.memory_space<vmem>>) dst(%dma_wait3A_477 : memref<10240x128xf32, #tpu.memory_space<vmem_shared>>)
        tpu.yield
      }) : () -> ()
    }
    %scan3A_157 = arith.constant 39 : i32
    %dma_wait3A = arith.constant 0 : i32
    %dma_wait3A_158 = arith.constant 0 : i32
    %dma_wait3A_159 = tpu.memref_slice %arg2[%dma_wait3A, %dma_wait3A_158] : memref<10000x128xf32, #tpu.memory_space<hbm>> -> memref<10000x128xf32, #tpu.memory_space<hbm>>
    tpu.wait_indirect_dma semaphore(%arg14 : memref<!tpu.dma_semaphore, #tpu.memory_space<semaphore_mem>>) src(%dma_wait3A_159 : memref<10000x128xf32, #tpu.memory_space<hbm>>) dst(%arg11 : memref<128x128xf32, #tpu.memory_space<vmem>>)
    "tpu.region"() ({
      %run_scoped3A = tpu.sem_alloc : memref<!tpu.dma_semaphore, #tpu.memory_space<semaphore_mem>>
      %dma_start3A_165 = arith.constant 0 : i32
      %dma_start3A_166 = arith.constant 0 : i32
      %dma_start3A_167 = tpu.memref_slice %arg13[%dma_start3A_165, %dma_start3A_166] : memref<10240x128xf32, #tpu.memory_space<vmem_shared>> -> memref<10240x128xf32, #tpu.memory_space<vmem_shared>>
      tpu.enqueue_indirect_dma source(%arg11 : memref<128x128xf32, #tpu.memory_space<vmem>>) target(%dma_start3A_167 : memref<10240x128xf32, #tpu.memory_space<vmem_shared>>) offsets(%arg8 : memref<128xi32, #tpu.memory_space<vmem>>) semaphore(%run_scoped3A : memref<!tpu.dma_semaphore, #tpu.memory_space<semaphore_mem>>) {add = true}
      %dma_wait3A_168 = arith.constant 0 : i32
      %dma_wait3A_169 = arith.constant 0 : i32
      %dma_wait3A_170 = tpu.memref_slice %arg13[%dma_wait3A_168, %dma_wait3A_169] : memref<10240x128xf32, #tpu.memory_space<vmem_shared>> -> memref<10240x128xf32, #tpu.memory_space<vmem_shared>>
      tpu.wait_indirect_dma semaphore(%run_scoped3A : memref<!tpu.dma_semaphore, #tpu.memory_space<semaphore_mem>>) src(%arg11 : memref<128x128xf32, #tpu.memory_space<vmem>>) dst(%dma_wait3A_170 : memref<10240x128xf32, #tpu.memory_space<vmem_shared>>)
      tpu.yield
    }) : () -> ()
    %barrier3A_160 = arith.constant 0 : index
    tpu.barrier barrier_id(%barrier3A_160)
    %mul3A_161 = arith.constant 640 : i32
    %mul3A_162 = arith.muli %arg1, %mul3A_161 : i32
    %mul3A_163 = arith.constant 640 : i32
    %mul3A_164 = arith.muli %arg1, %mul3A_163 : i32
    "tpu.region"() ({
      %run_scoped3A = tpu.sem_alloc : memref<!tpu.dma_semaphore, #tpu.memory_space<semaphore_mem>>
      %dma_start3A_165 = arith.constant 0 : i32
      %dma_start3A_166 = tpu.memref_slice %arg5[%arg0, %mul3A_164, %dma_start3A_165] : memref<2x10240x128xf32, #tpu.memory_space<hbm>> -> memref<1x640x128xf32, #tpu.memory_space<hbm>>
      %dma_start3A_167 = tpu.memref_squeeze %dma_start3A_166 : memref<1x640x128xf32, #tpu.memory_space<hbm>> -> memref<640x128xf32, #tpu.memory_space<hbm>>
      %dma_start3A_168 = arith.constant 0 : i32
      %dma_start3A_169 = tpu.memref_slice %arg13[%mul3A_162, %dma_start3A_168] : memref<10240x128xf32, #tpu.memory_space<vmem_shared>> -> memref<640x128xf32, #tpu.memory_space<vmem_shared>>
      tpu.enqueue_dma source(%dma_start3A_169 : memref<640x128xf32, #tpu.memory_space<vmem_shared>>) target(%dma_start3A_167 : memref<640x128xf32, #tpu.memory_space<hbm>>) target_semaphore(%run_scoped3A : memref<!tpu.dma_semaphore, #tpu.memory_space<semaphore_mem>>)
      %dma_wait3A_170 = arith.constant 0 : i32
      %dma_wait3A_171 = tpu.memref_slice %arg5[%arg0, %mul3A_164, %dma_wait3A_170] : memref<2x10240x128xf32, #tpu.memory_space<hbm>> -> memref<1x640x128xf32, #tpu.memory_space<hbm>>
      %dma_wait3A_172 = tpu.memref_squeeze %dma_wait3A_171 : memref<1x640x128xf32, #tpu.memory_space<hbm>> -> memref<640x128xf32, #tpu.memory_space<hbm>>
      %dma_wait3A_173 = arith.constant 0 : i32
      %dma_wait3A_174 = tpu.memref_slice %arg13[%mul3A_162, %dma_wait3A_173] : memref<10240x128xf32, #tpu.memory_space<vmem_shared>> -> memref<640x128xf32, #tpu.memory_space<vmem_shared>>
      tpu.wait_dma2 semaphore(%run_scoped3A : memref<!tpu.dma_semaphore, #tpu.memory_space<semaphore_mem>>) src(%dma_wait3A_174 : memref<640x128xf32, #tpu.memory_space<vmem_shared>>) dst(%dma_wait3A_172 : memref<640x128xf32, #tpu.memory_space<hbm>>)
      tpu.yield
    }) : () -> ()
    return
  }
}

#map = affine_map<(d0, d1) -> (0, 0)>
#map1 = affine_map<(d0, d1) -> (0, 0, 0)>
module attributes {stable_mosaic.version = 14 : i64} {
  func.func @_sc_segment_sum(%arg0: i32, %arg1: i32, %arg2: memref<10000x128xf32, #tpu.memory_space<hbm>>, %arg3: memref<32x79x128xi32, #tpu.memory_space<hbm>>, %arg4: memref<640x128xf32, #tpu.memory_space<hbm>>, %arg5: memref<2x10240x128xf32, #tpu.memory_space<hbm>>, %arg6: memref<79x128xi32, #tpu.memory_space<vmem>>, %arg7: memref<128xi32, #tpu.memory_space<vmem>>, %arg8: memref<128xi32, #tpu.memory_space<vmem>>, %arg9: memref<128xi32, #tpu.memory_space<vmem>>, %arg10: memref<128xi32, #tpu.memory_space<vmem>>, %arg11: memref<128x128xf32, #tpu.memory_space<vmem>>, %arg12: memref<128x128xf32, #tpu.memory_space<vmem>>, %arg13: memref<10240x128xf32, #tpu.memory_space<vmem_shared>>, %arg14: memref<!tpu.dma_semaphore, #tpu.memory_space<semaphore_mem>>, %arg15: memref<!tpu.dma_semaphore, #tpu.memory_space<semaphore_mem>>) attributes {dimension_semantics = [#tpu.dimension_semantics<core_parallel>, #tpu.dimension_semantics<subcore_parallel>], iteration_bounds = array<i64: 2, 16>, scalar_prefetch = 0 : i64, scratch_operands = 10 : i64, tpu.core_type = #tpu.core_type<sc_vector_subcore>, window_params = [{transform_indices = #map}, {transform_indices = #map1}, {transform_indices = #map}, {transform_indices = #map1}]} {
    %mul3A = arith.constant 2 : i32
    %mul3A_0 = arith.muli %arg1, %mul3A : i32
    %add3A = arith.addi %mul3A_0, %arg0 : i32
    %mul3A_1 = arith.constant 640 : i32
    %mul3A_2 = arith.muli %arg1, %mul3A_1 : i32
    "tpu.region"() ({
      %run_scoped3A = tpu.sem_alloc : memref<!tpu.dma_semaphore, #tpu.memory_space<semaphore_mem>>
      %dma_start3A_165 = arith.constant 0 : i32
      %dma_start3A_166 = tpu.memref_slice %arg13[%mul3A_2, %dma_start3A_165] : memref<10240x128xf32, #tpu.memory_space<vmem_shared>> -> memref<640x128xf32, #tpu.memory_space<vmem_shared>>
      tpu.enqueue_dma source(%arg4 : memref<640x128xf32, #tpu.memory_space<hbm>>) target(%dma_start3A_166 : memref<640x128xf32, #tpu.memory_space<vmem_shared>>) target_semaphore(%run_scoped3A : memref<!tpu.dma_semaphore, #tpu.memory_space<semaphore_mem>>)
      %dma_wait3A_167 = arith.constant 0 : i32
      %dma_wait3A_168 = tpu.memref_slice %arg13[%mul3A_2, %dma_wait3A_167] : memref<10240x128xf32, #tpu.memory_space<vmem_shared>> -> memref<640x128xf32, #tpu.memory_space<vmem_shared>>
      tpu.wait_dma2 semaphore(%run_scoped3A : memref<!tpu.dma_semaphore, #tpu.memory_space<semaphore_mem>>) src(%arg4 : memref<640x128xf32, #tpu.memory_space<hbm>>) dst(%dma_wait3A_168 : memref<640x128xf32, #tpu.memory_space<vmem_shared>>)
      tpu.yield
    }) : () -> ()
    "tpu.region"() ({
      %run_scoped3A = tpu.sem_alloc : memref<!tpu.dma_semaphore, #tpu.memory_space<semaphore_mem>>
      %dma_start3A_165 = arith.constant 0 : i32
      %dma_start3A_166 = arith.constant 0 : i32
      %dma_start3A_167 = tpu.memref_slice %arg3[%add3A, %dma_start3A_165, %dma_start3A_166] : memref<32x79x128xi32, #tpu.memory_space<hbm>> -> memref<1x79x128xi32, #tpu.memory_space<hbm>>
      %dma_start3A_168 = tpu.memref_squeeze %dma_start3A_167 : memref<1x79x128xi32, #tpu.memory_space<hbm>> -> memref<79x128xi32, #tpu.memory_space<hbm>>
      %dma_start3A_169 = arith.constant 0 : i32
      %dma_start3A_170 = arith.constant 0 : i32
      %dma_start3A_171 = tpu.memref_slice %arg3[%add3A, %dma_start3A_169, %dma_start3A_170] : memref<32x79x128xi32, #tpu.memory_space<hbm>> -> memref<1x79x128xi32, #tpu.memory_space<hbm>>
      %dma_start3A_172 = tpu.memref_squeeze %dma_start3A_171 : memref<1x79x128xi32, #tpu.memory_space<hbm>> -> memref<79x128xi32, #tpu.memory_space<hbm>>
      tpu.enqueue_dma source(%dma_start3A_172 : memref<79x128xi32, #tpu.memory_space<hbm>>) target(%arg6 : memref<79x128xi32, #tpu.memory_space<vmem>>) target_semaphore(%run_scoped3A : memref<!tpu.dma_semaphore, #tpu.memory_space<semaphore_mem>>)
      %dma_wait3A_173 = arith.constant 0 : i32
      %dma_wait3A_174 = arith.constant 0 : i32
      %dma_wait3A_175 = tpu.memref_slice %arg3[%add3A, %dma_wait3A_173, %dma_wait3A_174] : memref<32x79x128xi32, #tpu.memory_space<hbm>> -> memref<1x79x128xi32, #tpu.memory_space<hbm>>
      %dma_wait3A_176 = tpu.memref_squeeze %dma_wait3A_175 : memref<1x79x128xi32, #tpu.memory_space<hbm>> -> memref<79x128xi32, #tpu.memory_space<hbm>>
      %dma_wait3A_177 = arith.constant 0 : i32
      %dma_wait3A_178 = arith.constant 0 : i32
      %dma_wait3A_179 = tpu.memref_slice %arg3[%add3A, %dma_wait3A_177, %dma_wait3A_178] : memref<32x79x128xi32, #tpu.memory_space<hbm>> -> memref<1x79x128xi32, #tpu.memory_space<hbm>>
      %dma_wait3A_180 = tpu.memref_squeeze %dma_wait3A_179 : memref<1x79x128xi32, #tpu.memory_space<hbm>> -> memref<79x128xi32, #tpu.memory_space<hbm>>
      tpu.wait_dma2 semaphore(%run_scoped3A : memref<!tpu.dma_semaphore, #tpu.memory_space<semaphore_mem>>) src(%dma_wait3A_180 : memref<79x128xi32, #tpu.memory_space<hbm>>) dst(%arg6 : memref<79x128xi32, #tpu.memory_space<vmem>>)
      tpu.yield
    }) : () -> ()
    %barrier3A = arith.constant 0 : index
    tpu.barrier barrier_id(%barrier3A)
    %get3A = arith.constant 0 : i32
    %get3A_3 = arith.index_cast %get3A : i32 to index
    %get3A_4 = arith.constant 0 : index
    %get3A_5 = tpu.vector_load %arg6[%get3A_3, %get3A_4] {strides = array<i32>} : memref<79x128xi32, #tpu.memory_space<vmem>>, vector<1x16xi32>,
    %get3A_6 = vector.shape_cast %get3A_5 : vector<1x16xi32> to vector<16xi32>
    %and3A = arith.constant 65535 : i32
    %and3A_7 = vector.broadcast %and3A : i32 to vector<16xi32>
    %and3A_8 = arith.andi %get3A_6, %and3A_7 : vector<16xi32>
    %swap3A = arith.constant 0 : index
    %swap3A_9 = tpu.vector_load %arg7[%swap3A] {strides = array<i32>} : memref<128xi32, #tpu.memory_space<vmem>>, vector<16xi32>,
    %swap3A_10 = vector.shape_cast %swap3A_9 : vector<16xi32> to vector<16xi32>
    %swap3A_11 = vector.shape_cast %and3A_8 : vector<16xi32> to vector<16xi32>
    tpu.vector_store %arg7[%swap3A], %swap3A_11 {strides = array<i32>} : memref<128xi32, #tpu.memory_space<vmem>>, vector<16xi32>,
    %shift_right_logical3A = arith.constant 16 : i32
    %shift_right_logical3A_12 = vector.broadcast %shift_right_logical3A : i32 to vector<16xi32>
    %shift_right_logical3A_13 = arith.shrui %get3A_6, %shift_right_logical3A_12 : vector<16xi32>
    %swap3A_14 = arith.constant 0 : index
    %swap3A_15 = tpu.vector_load %arg8[%swap3A_14] {strides = array<i32>} : memref<128xi32, #tpu.memory_space<vmem>>, vector<16xi32>,
    %swap3A_16 = vector.shape_cast %swap3A_15 : vector<16xi32> to vector<16xi32>
    %swap3A_17 = vector.shape_cast %shift_right_logical3A_13 : vector<16xi32> to vector<16xi32>
    tpu.vector_store %arg8[%swap3A_14], %swap3A_17 {strides = array<i32>} : memref<128xi32, #tpu.memory_space<vmem>>, vector<16xi32>,
    %get3A_18 = arith.constant 0 : i32
    %get3A_19 = arith.index_cast %get3A_18 : i32 to index
    %get3A_20 = arith.constant 16 : index
    %get3A_21 = tpu.vector_load %arg6[%get3A_19, %get3A_20] {strides = array<i32>} : memref<79x128xi32, #tpu.memory_space<vmem>>, vector<1x16xi32>,
    %get3A_22 = vector.shape_cast %get3A_21 : vector<1x16xi32> to vector<16xi32>
    %and3A_23 = arith.constant 65535 : i32
    %and3A_24 = vector.broadcast %and3A_23 : i32 to vector<16xi32>
    %and3A_25 = arith.andi %get3A_22, %and3A_24 : vector<16xi32>
    %swap3A_26 = arith.constant 16 : index
    %swap3A_27 = tpu.vector_load %arg7[%swap3A_26] {strides = array<i32>} : memref<128xi32, #tpu.memory_space<vmem>>, vector<16xi32>,
    %swap3A_28 = vector.shape_cast %swap3A_27 : vector<16xi32> to vector<16xi32>
    %swap3A_29 = vector.shape_cast %and3A_25 : vector<16xi32> to vector<16xi32>
    tpu.vector_store %arg7[%swap3A_26], %swap3A_29 {strides = array<i32>} : memref<128xi32, #tpu.memory_space<vmem>>, vector<16xi32>,
    %shift_right_logical3A_30 = arith.constant 16 : i32
    %shift_right_logical3A_31 = vector.broadcast %shift_right_logical3A_30 : i32 to vector<16xi32>
    %shift_right_logical3A_32 = arith.shrui %get3A_22, %shift_right_logical3A_31 : vector<16xi32>
    %swap3A_33 = arith.constant 16 : index
    %swap3A_34 = tpu.vector_load %arg8[%swap3A_33] {strides = array<i32>} : memref<128xi32, #tpu.memory_space<vmem>>, vector<16xi32>,
    %swap3A_35 = vector.shape_cast %swap3A_34 : vector<16xi32> to vector<16xi32>
    %swap3A_36 = vector.shape_cast %shift_right_logical3A_32 : vector<16xi32> to vector<16xi32>
    tpu.vector_store %arg8[%swap3A_33], %swap3A_36 {strides = array<i32>} : memref<128xi32, #tpu.memory_space<vmem>>, vector<16xi32>,
    %get3A_37 = arith.constant 0 : i32
    %get3A_38 = arith.index_cast %get3A_37 : i32 to index
    %get3A_39 = arith.constant 32 : index
    %get3A_40 = tpu.vector_load %arg6[%get3A_38, %get3A_39] {strides = array<i32>} : memref<79x128xi32, #tpu.memory_space<vmem>>, vector<1x16xi32>,
    %get3A_41 = vector.shape_cast %get3A_40 : vector<1x16xi32> to vector<16xi32>
    %and3A_42 = arith.constant 65535 : i32
    %and3A_43 = vector.broadcast %and3A_42 : i32 to vector<16xi32>
    %and3A_44 = arith.andi %get3A_41, %and3A_43 : vector<16xi32>
    %swap3A_45 = arith.constant 32 : index
    %swap3A_46 = tpu.vector_load %arg7[%swap3A_45] {strides = array<i32>} : memref<128xi32, #tpu.memory_space<vmem>>, vector<16xi32>,
    %swap3A_47 = vector.shape_cast %swap3A_46 : vector<16xi32> to vector<16xi32>
    %swap3A_48 = vector.shape_cast %and3A_44 : vector<16xi32> to vector<16xi32>
    tpu.vector_store %arg7[%swap3A_45], %swap3A_48 {strides = array<i32>} : memref<128xi32, #tpu.memory_space<vmem>>, vector<16xi32>,
    %shift_right_logical3A_49 = arith.constant 16 : i32
    %shift_right_logical3A_50 = vector.broadcast %shift_right_logical3A_49 : i32 to vector<16xi32>
    %shift_right_logical3A_51 = arith.shrui %get3A_41, %shift_right_logical3A_50 : vector<16xi32>
    %swap3A_52 = arith.constant 32 : index
    %swap3A_53 = tpu.vector_load %arg8[%swap3A_52] {strides = array<i32>} : memref<128xi32, #tpu.memory_space<vmem>>, vector<16xi32>,
    %swap3A_54 = vector.shape_cast %swap3A_53 : vector<16xi32> to vector<16xi32>
    %swap3A_55 = vector.shape_cast %shift_right_logical3A_51 : vector<16xi32> to vector<16xi32>
    tpu.vector_store %arg8[%swap3A_52], %swap3A_55 {strides = array<i32>} : memref<128xi32, #tpu.memory_space<vmem>>, vector<16xi32>,
    %get3A_56 = arith.constant 0 : i32
    %get3A_57 = arith.index_cast %get3A_56 : i32 to index
    %get3A_58 = arith.constant 48 : index
    %get3A_59 = tpu.vector_load %arg6[%get3A_57, %get3A_58] {strides = array<i32>} : memref<79x128xi32, #tpu.memory_space<vmem>>, vector<1x16xi32>,
    %get3A_60 = vector.shape_cast %get3A_59 : vector<1x16xi32> to vector<16xi32>
    %and3A_61 = arith.constant 65535 : i32
    %and3A_62 = vector.broadcast %and3A_61 : i32 to vector<16xi32>
    %and3A_63 = arith.andi %get3A_60, %and3A_62 : vector<16xi32>
    %swap3A_64 = arith.constant 48 : index
    %swap3A_65 = tpu.vector_load %arg7[%swap3A_64] {strides = array<i32>} : memref<128xi32, #tpu.memory_space<vmem>>, vector<16xi32>,
    %swap3A_66 = vector.shape_cast %swap3A_65 : vector<16xi32> to vector<16xi32>
    %swap3A_67 = vector.shape_cast %and3A_63 : vector<16xi32> to vector<16xi32>
    tpu.vector_store %arg7[%swap3A_64], %swap3A_67 {strides = array<i32>} : memref<128xi32, #tpu.memory_space<vmem>>, vector<16xi32>,
    %shift_right_logical3A_68 = arith.constant 16 : i32
    %shift_right_logical3A_69 = vector.broadcast %shift_right_logical3A_68 : i32 to vector<16xi32>
    %shift_right_logical3A_70 = arith.shrui %get3A_60, %shift_right_logical3A_69 : vector<16xi32>
    %swap3A_71 = arith.constant 48 : index
    %swap3A_72 = tpu.vector_load %arg8[%swap3A_71] {strides = array<i32>} : memref<128xi32, #tpu.memory_space<vmem>>, vector<16xi32>,
    %swap3A_73 = vector.shape_cast %swap3A_72 : vector<16xi32> to vector<16xi32>
    %swap3A_74 = vector.shape_cast %shift_right_logical3A_70 : vector<16xi32> to vector<16xi32>
    tpu.vector_store %arg8[%swap3A_71], %swap3A_74 {strides = array<i32>} : memref<128xi32, #tpu.memory_space<vmem>>, vector<16xi32>,
    %get3A_75 = arith.constant 0 : i32
    %get3A_76 = arith.index_cast %get3A_75 : i32 to index
    %get3A_77 = arith.constant 64 : index
    %get3A_78 = tpu.vector_load %arg6[%get3A_76, %get3A_77] {strides = array<i32>} : memref<79x128xi32, #tpu.memory_space<vmem>>, vector<1x16xi32>,
    %get3A_79 = vector.shape_cast %get3A_78 : vector<1x16xi32> to vector<16xi32>
    %and3A_80 = arith.constant 65535 : i32
    %and3A_81 = vector.broadcast %and3A_80 : i32 to vector<16xi32>
    %and3A_82 = arith.andi %get3A_79, %and3A_81 : vector<16xi32>
    %swap3A_83 = arith.constant 64 : index
    %swap3A_84 = tpu.vector_load %arg7[%swap3A_83] {strides = array<i32>} : memref<128xi32, #tpu.memory_space<vmem>>, vector<16xi32>,
    %swap3A_85 = vector.shape_cast %swap3A_84 : vector<16xi32> to vector<16xi32>
    %swap3A_86 = vector.shape_cast %and3A_82 : vector<16xi32> to vector<16xi32>
    tpu.vector_store %arg7[%swap3A_83], %swap3A_86 {strides = array<i32>} : memref<128xi32, #tpu.memory_space<vmem>>, vector<16xi32>,
    %shift_right_logical3A_87 = arith.constant 16 : i32
    %shift_right_logical3A_88 = vector.broadcast %shift_right_logical3A_87 : i32 to vector<16xi32>
    %shift_right_logical3A_89 = arith.shrui %get3A_79, %shift_right_logical3A_88 : vector<16xi32>
    %swap3A_90 = arith.constant 64 : index
    %swap3A_91 = tpu.vector_load %arg8[%swap3A_90] {strides = array<i32>} : memref<128xi32, #tpu.memory_space<vmem>>, vector<16xi32>,
    %swap3A_92 = vector.shape_cast %swap3A_91 : vector<16xi32> to vector<16xi32>
    %swap3A_93 = vector.shape_cast %shift_right_logical3A_89 : vector<16xi32> to vector<16xi32>
    tpu.vector_store %arg8[%swap3A_90], %swap3A_93 {strides = array<i32>} : memref<128xi32, #tpu.memory_space<vmem>>, vector<16xi32>,
    %get3A_94 = arith.constant 0 : i32
    %get3A_95 = arith.index_cast %get3A_94 : i32 to index
    %get3A_96 = arith.constant 80 : index
    %get3A_97 = tpu.vector_load %arg6[%get3A_95, %get3A_96] {strides = array<i32>} : memref<79x128xi32, #tpu.memory_space<vmem>>, vector<1x16xi32>,
    %get3A_98 = vector.shape_cast %get3A_97 : vector<1x16xi32> to vector<16xi32>
    %and3A_99 = arith.constant 65535 : i32
    %and3A_100 = vector.broadcast %and3A_99 : i32 to vector<16xi32>
    %and3A_101 = arith.andi %get3A_98, %and3A_100 : vector<16xi32>
    %swap3A_102 = arith.constant 80 : index
    %swap3A_103 = tpu.vector_load %arg7[%swap3A_102] {strides = array<i32>} : memref<128xi32, #tpu.memory_space<vmem>>, vector<16xi32>,
    %swap3A_104 = vector.shape_cast %swap3A_103 : vector<16xi32> to vector<16xi32>
    %swap3A_105 = vector.shape_cast %and3A_101 : vector<16xi32> to vector<16xi32>
    tpu.vector_store %arg7[%swap3A_102], %swap3A_105 {strides = array<i32>} : memref<128xi32, #tpu.memory_space<vmem>>, vector<16xi32>,
    %shift_right_logical3A_106 = arith.constant 16 : i32
    %shift_right_logical3A_107 = vector.broadcast %shift_right_logical3A_106 : i32 to vector<16xi32>
    %shift_right_logical3A_108 = arith.shrui %get3A_98, %shift_right_logical3A_107 : vector<16xi32>
    %swap3A_109 = arith.constant 80 : index
    %swap3A_110 = tpu.vector_load %arg8[%swap3A_109] {strides = array<i32>} : memref<128xi32, #tpu.memory_space<vmem>>, vector<16xi32>,
    %swap3A_111 = vector.shape_cast %swap3A_110 : vector<16xi32> to vector<16xi32>
    %swap3A_112 = vector.shape_cast %shift_right_logical3A_108 : vector<16xi32> to vector<16xi32>
    tpu.vector_store %arg8[%swap3A_109], %swap3A_112 {strides = array<i32>} : memref<128xi32, #tpu.memory_space<vmem>>, vector<16xi32>,
    %get3A_113 = arith.constant 0 : i32
    %get3A_114 = arith.index_cast %get3A_113 : i32 to index
    %get3A_115 = arith.constant 96 : index
    %get3A_116 = tpu.vector_load %arg6[%get3A_114, %get3A_115] {strides = array<i32>} : memref<79x128xi32, #tpu.memory_space<vmem>>, vector<1x16xi32>,
    %get3A_117 = vector.shape_cast %get3A_116 : vector<1x16xi32> to vector<16xi32>
    %and3A_118 = arith.constant 65535 : i32
    %and3A_119 = vector.broadcast %and3A_118 : i32 to vector<16xi32>
    %and3A_120 = arith.andi %get3A_117, %and3A_119 : vector<16xi32>
    %swap3A_121 = arith.constant 96 : index
    %swap3A_122 = tpu.vector_load %arg7[%swap3A_121] {strides = array<i32>} : memref<128xi32, #tpu.memory_space<vmem>>, vector<16xi32>,
    %swap3A_123 = vector.shape_cast %swap3A_122 : vector<16xi32> to vector<16xi32>
    %swap3A_124 = vector.shape_cast %and3A_120 : vector<16xi32> to vector<16xi32>
    tpu.vector_store %arg7[%swap3A_121], %swap3A_124 {strides = array<i32>} : memref<128xi32, #tpu.memory_space<vmem>>, vector<16xi32>,
    %shift_right_logical3A_125 = arith.constant 16 : i32
    %shift_right_logical3A_126 = vector.broadcast %shift_right_logical3A_125 : i32 to vector<16xi32>
    %shift_right_logical3A_127 = arith.shrui %get3A_117, %shift_right_logical3A_126 : vector<16xi32>
    %swap3A_128 = arith.constant 96 : index
    %swap3A_129 = tpu.vector_load %arg8[%swap3A_128] {strides = array<i32>} : memref<128xi32, #tpu.memory_space<vmem>>, vector<16xi32>,
    %swap3A_130 = vector.shape_cast %swap3A_129 : vector<16xi32> to vector<16xi32>
    %swap3A_131 = vector.shape_cast %shift_right_logical3A_127 : vector<16xi32> to vector<16xi32>
    tpu.vector_store %arg8[%swap3A_128], %swap3A_131 {strides = array<i32>} : memref<128xi32, #tpu.memory_space<vmem>>, vector<16xi32>,
    %get3A_132 = arith.constant 0 : i32
    %get3A_133 = arith.index_cast %get3A_132 : i32 to index
    %get3A_134 = arith.constant 112 : index
    %get3A_135 = tpu.vector_load %arg6[%get3A_133, %get3A_134] {strides = array<i32>} : memref<79x128xi32, #tpu.memory_space<vmem>>, vector<1x16xi32>,
    %get3A_136 = vector.shape_cast %get3A_135 : vector<1x16xi32> to vector<16xi32>
    %and3A_137 = arith.constant 65535 : i32
    %and3A_138 = vector.broadcast %and3A_137 : i32 to vector<16xi32>
    %and3A_139 = arith.andi %get3A_136, %and3A_138 : vector<16xi32>
    %swap3A_140 = arith.constant 112 : index
    %swap3A_141 = tpu.vector_load %arg7[%swap3A_140] {strides = array<i32>} : memref<128xi32, #tpu.memory_space<vmem>>, vector<16xi32>,
    %swap3A_142 = vector.shape_cast %swap3A_141 : vector<16xi32> to vector<16xi32>
    %swap3A_143 = vector.shape_cast %and3A_139 : vector<16xi32> to vector<16xi32>
    tpu.vector_store %arg7[%swap3A_140], %swap3A_143 {strides = array<i32>} : memref<128xi32, #tpu.memory_space<vmem>>, vector<16xi32>,
    %shift_right_logical3A_144 = arith.constant 16 : i32
    %shift_right_logical3A_145 = vector.broadcast %shift_right_logical3A_144 : i32 to vector<16xi32>
    %shift_right_logical3A_146 = arith.shrui %get3A_136, %shift_right_logical3A_145 : vector<16xi32>
    %swap3A_147 = arith.constant 112 : index
    %swap3A_148 = tpu.vector_load %arg8[%swap3A_147] {strides = array<i32>} : memref<128xi32, #tpu.memory_space<vmem>>, vector<16xi32>,
    %swap3A_149 = vector.shape_cast %swap3A_148 : vector<16xi32> to vector<16xi32>
    %swap3A_150 = vector.shape_cast %shift_right_logical3A_146 : vector<16xi32> to vector<16xi32>
    tpu.vector_store %arg8[%swap3A_147], %swap3A_150 {strides = array<i32>} : memref<128xi32, #tpu.memory_space<vmem>>, vector<16xi32>,
    %dma_start3A = arith.constant 0 : i32
    %dma_start3A_151 = arith.constant 0 : i32
    %dma_start3A_152 = tpu.memref_slice %arg2[%dma_start3A, %dma_start3A_151] : memref<10000x128xf32, #tpu.memory_space<hbm>> -> memref<10000x128xf32, #tpu.memory_space<hbm>>
    tpu.enqueue_indirect_dma source(%dma_start3A_152 : memref<10000x128xf32, #tpu.memory_space<hbm>>) target(%arg11 : memref<128x128xf32, #tpu.memory_space<vmem>>) offsets(%arg7 : memref<128xi32, #tpu.memory_space<vmem>>) semaphore(%arg14 : memref<!tpu.dma_semaphore, #tpu.memory_space<semaphore_mem>>)
    %scan3A = arith.constant 0 : i32
    %scan3A_153 = arith.constant 0 : i32
    %scan3A_154 = arith.constant 39 : i32
    %scan3A_155 = arith.addi %scan3A_153, %scan3A_154 : i32
    %scan3A_156 = arith.constant 1 : i32
    scf.for %scan3A_165 = %scan3A_153 to %scan3A_155 step %scan3A_156  : i32 {
      %mul3A_166 = arith.constant 2 : i32
      %mul3A_167 = arith.muli %mul3A_166, %scan3A_165 : i32
      %add3A_168 = arith.constant 1 : i32
      %add3A_169 = arith.addi %mul3A_167, %add3A_168 : i32
      %get3A_170 = arith.index_cast %add3A_169 : i32 to index
      %get3A_171 = arith.constant 0 : index
      %get3A_172 = tpu.vector_load %arg6[%get3A_170, %get3A_171] {strides = array<i32>} : memref<79x128xi32, #tpu.memory_space<vmem>>, vector<1x16xi32>,
      %get3A_173 = vector.shape_cast %get3A_172 : vector<1x16xi32> to vector<16xi32>
      %and3A_174 = arith.constant 65535 : i32
      %and3A_175 = vector.broadcast %and3A_174 : i32 to vector<16xi32>
      %and3A_176 = arith.andi %get3A_173, %and3A_175 : vector<16xi32>
      %swap3A_177 = arith.constant 0 : index
      %swap3A_178 = tpu.vector_load %arg9[%swap3A_177] {strides = array<i32>} : memref<128xi32, #tpu.memory_space<vmem>>, vector<16xi32>,
      %swap3A_179 = vector.shape_cast %swap3A_178 : vector<16xi32> to vector<16xi32>
      %swap3A_180 = vector.shape_cast %and3A_176 : vector<16xi32> to vector<16xi32>
      tpu.vector_store %arg9[%swap3A_177], %swap3A_180 {strides = array<i32>} : memref<128xi32, #tpu.memory_space<vmem>>, vector<16xi32>,
      %shift_right_logical3A_181 = arith.constant 16 : i32
      %shift_right_logical3A_182 = vector.broadcast %shift_right_logical3A_181 : i32 to vector<16xi32>
      %shift_right_logical3A_183 = arith.shrui %get3A_173, %shift_right_logical3A_182 : vector<16xi32>
      %swap3A_184 = arith.constant 0 : index
      %swap3A_185 = tpu.vector_load %arg10[%swap3A_184] {strides = array<i32>} : memref<128xi32, #tpu.memory_space<vmem>>, vector<16xi32>,
      %swap3A_186 = vector.shape_cast %swap3A_185 : vector<16xi32> to vector<16xi32>
      %swap3A_187 = vector.shape_cast %shift_right_logical3A_183 : vector<16xi32> to vector<16xi32>
      tpu.vector_store %arg10[%swap3A_184], %swap3A_187 {strides = array<i32>} : memref<128xi32, #tpu.memory_space<vmem>>, vector<16xi32>,
      %get3A_188 = arith.index_cast %add3A_169 : i32 to index
      %get3A_189 = arith.constant 16 : index
      %get3A_190 = tpu.vector_load %arg6[%get3A_188, %get3A_189] {strides = array<i32>} : memref<79x128xi32, #tpu.memory_space<vmem>>, vector<1x16xi32>,
      %get3A_191 = vector.shape_cast %get3A_190 : vector<1x16xi32> to vector<16xi32>
      %and3A_192 = arith.constant 65535 : i32
      %and3A_193 = vector.broadcast %and3A_192 : i32 to vector<16xi32>
      %and3A_194 = arith.andi %get3A_191, %and3A_193 : vector<16xi32>
      %swap3A_195 = arith.constant 16 : index
      %swap3A_196 = tpu.vector_load %arg9[%swap3A_195] {strides = array<i32>} : memref<128xi32, #tpu.memory_space<vmem>>, vector<16xi32>,
      %swap3A_197 = vector.shape_cast %swap3A_196 : vector<16xi32> to vector<16xi32>
      %swap3A_198 = vector.shape_cast %and3A_194 : vector<16xi32> to vector<16xi32>
      tpu.vector_store %arg9[%swap3A_195], %swap3A_198 {strides = array<i32>} : memref<128xi32, #tpu.memory_space<vmem>>, vector<16xi32>,
      %shift_right_logical3A_199 = arith.constant 16 : i32
      %shift_right_logical3A_200 = vector.broadcast %shift_right_logical3A_199 : i32 to vector<16xi32>
      %shift_right_logical3A_201 = arith.shrui %get3A_191, %shift_right_logical3A_200 : vector<16xi32>
      %swap3A_202 = arith.constant 16 : index
      %swap3A_203 = tpu.vector_load %arg10[%swap3A_202] {strides = array<i32>} : memref<128xi32, #tpu.memory_space<vmem>>, vector<16xi32>,
      %swap3A_204 = vector.shape_cast %swap3A_203 : vector<16xi32> to vector<16xi32>
      %swap3A_205 = vector.shape_cast %shift_right_logical3A_201 : vector<16xi32> to vector<16xi32>
      tpu.vector_store %arg10[%swap3A_202], %swap3A_205 {strides = array<i32>} : memref<128xi32, #tpu.memory_space<vmem>>, vector<16xi32>,
      %get3A_206 = arith.index_cast %add3A_169 : i32 to index
      %get3A_207 = arith.constant 32 : index
      %get3A_208 = tpu.vector_load %arg6[%get3A_206, %get3A_207] {strides = array<i32>} : memref<79x128xi32, #tpu.memory_space<vmem>>, vector<1x16xi32>,
      %get3A_209 = vector.shape_cast %get3A_208 : vector<1x16xi32> to vector<16xi32>
      %and3A_210 = arith.constant 65535 : i32
      %and3A_211 = vector.broadcast %and3A_210 : i32 to vector<16xi32>
      %and3A_212 = arith.andi %get3A_209, %and3A_211 : vector<16xi32>
      %swap3A_213 = arith.constant 32 : index
      %swap3A_214 = tpu.vector_load %arg9[%swap3A_213] {strides = array<i32>} : memref<128xi32, #tpu.memory_space<vmem>>, vector<16xi32>,
      %swap3A_215 = vector.shape_cast %swap3A_214 : vector<16xi32> to vector<16xi32>
      %swap3A_216 = vector.shape_cast %and3A_212 : vector<16xi32> to vector<16xi32>
      tpu.vector_store %arg9[%swap3A_213], %swap3A_216 {strides = array<i32>} : memref<128xi32, #tpu.memory_space<vmem>>, vector<16xi32>,
      %shift_right_logical3A_217 = arith.constant 16 : i32
      %shift_right_logical3A_218 = vector.broadcast %shift_right_logical3A_217 : i32 to vector<16xi32>
      %shift_right_logical3A_219 = arith.shrui %get3A_209, %shift_right_logical3A_218 : vector<16xi32>
      %swap3A_220 = arith.constant 32 : index
      %swap3A_221 = tpu.vector_load %arg10[%swap3A_220] {strides = array<i32>} : memref<128xi32, #tpu.memory_space<vmem>>, vector<16xi32>,
      %swap3A_222 = vector.shape_cast %swap3A_221 : vector<16xi32> to vector<16xi32>
      %swap3A_223 = vector.shape_cast %shift_right_logical3A_219 : vector<16xi32> to vector<16xi32>
      tpu.vector_store %arg10[%swap3A_220], %swap3A_223 {strides = array<i32>} : memref<128xi32, #tpu.memory_space<vmem>>, vector<16xi32>,
      %get3A_224 = arith.index_cast %add3A_169 : i32 to index
      %get3A_225 = arith.constant 48 : index
      %get3A_226 = tpu.vector_load %arg6[%get3A_224, %get3A_225] {strides = array<i32>} : memref<79x128xi32, #tpu.memory_space<vmem>>, vector<1x16xi32>,
      %get3A_227 = vector.shape_cast %get3A_226 : vector<1x16xi32> to vector<16xi32>
      %and3A_228 = arith.constant 65535 : i32
      %and3A_229 = vector.broadcast %and3A_228 : i32 to vector<16xi32>
      %and3A_230 = arith.andi %get3A_227, %and3A_229 : vector<16xi32>
      %swap3A_231 = arith.constant 48 : index
      %swap3A_232 = tpu.vector_load %arg9[%swap3A_231] {strides = array<i32>} : memref<128xi32, #tpu.memory_space<vmem>>, vector<16xi32>,
      %swap3A_233 = vector.shape_cast %swap3A_232 : vector<16xi32> to vector<16xi32>
      %swap3A_234 = vector.shape_cast %and3A_230 : vector<16xi32> to vector<16xi32>
      tpu.vector_store %arg9[%swap3A_231], %swap3A_234 {strides = array<i32>} : memref<128xi32, #tpu.memory_space<vmem>>, vector<16xi32>,
      %shift_right_logical3A_235 = arith.constant 16 : i32
      %shift_right_logical3A_236 = vector.broadcast %shift_right_logical3A_235 : i32 to vector<16xi32>
      %shift_right_logical3A_237 = arith.shrui %get3A_227, %shift_right_logical3A_236 : vector<16xi32>
      %swap3A_238 = arith.constant 48 : index
      %swap3A_239 = tpu.vector_load %arg10[%swap3A_238] {strides = array<i32>} : memref<128xi32, #tpu.memory_space<vmem>>, vector<16xi32>,
      %swap3A_240 = vector.shape_cast %swap3A_239 : vector<16xi32> to vector<16xi32>
      %swap3A_241 = vector.shape_cast %shift_right_logical3A_237 : vector<16xi32> to vector<16xi32>
      tpu.vector_store %arg10[%swap3A_238], %swap3A_241 {strides = array<i32>} : memref<128xi32, #tpu.memory_space<vmem>>, vector<16xi32>,
      %get3A_242 = arith.index_cast %add3A_169 : i32 to index
      %get3A_243 = arith.constant 64 : index
      %get3A_244 = tpu.vector_load %arg6[%get3A_242, %get3A_243] {strides = array<i32>} : memref<79x128xi32, #tpu.memory_space<vmem>>, vector<1x16xi32>,
      %get3A_245 = vector.shape_cast %get3A_244 : vector<1x16xi32> to vector<16xi32>
      %and3A_246 = arith.constant 65535 : i32
      %and3A_247 = vector.broadcast %and3A_246 : i32 to vector<16xi32>
      %and3A_248 = arith.andi %get3A_245, %and3A_247 : vector<16xi32>
      %swap3A_249 = arith.constant 64 : index
      %swap3A_250 = tpu.vector_load %arg9[%swap3A_249] {strides = array<i32>} : memref<128xi32, #tpu.memory_space<vmem>>, vector<16xi32>,
      %swap3A_251 = vector.shape_cast %swap3A_250 : vector<16xi32> to vector<16xi32>
      %swap3A_252 = vector.shape_cast %and3A_248 : vector<16xi32> to vector<16xi32>
      tpu.vector_store %arg9[%swap3A_249], %swap3A_252 {strides = array<i32>} : memref<128xi32, #tpu.memory_space<vmem>>, vector<16xi32>,
      %shift_right_logical3A_253 = arith.constant 16 : i32
      %shift_right_logical3A_254 = vector.broadcast %shift_right_logical3A_253 : i32 to vector<16xi32>
      %shift_right_logical3A_255 = arith.shrui %get3A_245, %shift_right_logical3A_254 : vector<16xi32>
      %swap3A_256 = arith.constant 64 : index
      %swap3A_257 = tpu.vector_load %arg10[%swap3A_256] {strides = array<i32>} : memref<128xi32, #tpu.memory_space<vmem>>, vector<16xi32>,
      %swap3A_258 = vector.shape_cast %swap3A_257 : vector<16xi32> to vector<16xi32>
      %swap3A_259 = vector.shape_cast %shift_right_logical3A_255 : vector<16xi32> to vector<16xi32>
      tpu.vector_store %arg10[%swap3A_256], %swap3A_259 {strides = array<i32>} : memref<128xi32, #tpu.memory_space<vmem>>, vector<16xi32>,
      %get3A_260 = arith.index_cast %add3A_169 : i32 to index
      %get3A_261 = arith.constant 80 : index
      %get3A_262 = tpu.vector_load %arg6[%get3A_260, %get3A_261] {strides = array<i32>} : memref<79x128xi32, #tpu.memory_space<vmem>>, vector<1x16xi32>,
      %get3A_263 = vector.shape_cast %get3A_262 : vector<1x16xi32> to vector<16xi32>
      %and3A_264 = arith.constant 65535 : i32
      %and3A_265 = vector.broadcast %and3A_264 : i32 to vector<16xi32>
      %and3A_266 = arith.andi %get3A_263, %and3A_265 : vector<16xi32>
      %swap3A_267 = arith.constant 80 : index
      %swap3A_268 = tpu.vector_load %arg9[%swap3A_267] {strides = array<i32>} : memref<128xi32, #tpu.memory_space<vmem>>, vector<16xi32>,
      %swap3A_269 = vector.shape_cast %swap3A_268 : vector<16xi32> to vector<16xi32>
      %swap3A_270 = vector.shape_cast %and3A_266 : vector<16xi32> to vector<16xi32>
      tpu.vector_store %arg9[%swap3A_267], %swap3A_270 {strides = array<i32>} : memref<128xi32, #tpu.memory_space<vmem>>, vector<16xi32>,
      %shift_right_logical3A_271 = arith.constant 16 : i32
      %shift_right_logical3A_272 = vector.broadcast %shift_right_logical3A_271 : i32 to vector<16xi32>
      %shift_right_logical3A_273 = arith.shrui %get3A_263, %shift_right_logical3A_272 : vector<16xi32>
      %swap3A_274 = arith.constant 80 : index
      %swap3A_275 = tpu.vector_load %arg10[%swap3A_274] {strides = array<i32>} : memref<128xi32, #tpu.memory_space<vmem>>, vector<16xi32>,
      %swap3A_276 = vector.shape_cast %swap3A_275 : vector<16xi32> to vector<16xi32>
      %swap3A_277 = vector.shape_cast %shift_right_logical3A_273 : vector<16xi32> to vector<16xi32>
      tpu.vector_store %arg10[%swap3A_274], %swap3A_277 {strides = array<i32>} : memref<128xi32, #tpu.memory_space<vmem>>, vector<16xi32>,
      %get3A_278 = arith.index_cast %add3A_169 : i32 to index
      %get3A_279 = arith.constant 96 : index
      %get3A_280 = tpu.vector_load %arg6[%get3A_278, %get3A_279] {strides = array<i32>} : memref<79x128xi32, #tpu.memory_space<vmem>>, vector<1x16xi32>,
      %get3A_281 = vector.shape_cast %get3A_280 : vector<1x16xi32> to vector<16xi32>
      %and3A_282 = arith.constant 65535 : i32
      %and3A_283 = vector.broadcast %and3A_282 : i32 to vector<16xi32>
      %and3A_284 = arith.andi %get3A_281, %and3A_283 : vector<16xi32>
      %swap3A_285 = arith.constant 96 : index
      %swap3A_286 = tpu.vector_load %arg9[%swap3A_285] {strides = array<i32>} : memref<128xi32, #tpu.memory_space<vmem>>, vector<16xi32>,
      %swap3A_287 = vector.shape_cast %swap3A_286 : vector<16xi32> to vector<16xi32>
      %swap3A_288 = vector.shape_cast %and3A_284 : vector<16xi32> to vector<16xi32>
      tpu.vector_store %arg9[%swap3A_285], %swap3A_288 {strides = array<i32>} : memref<128xi32, #tpu.memory_space<vmem>>, vector<16xi32>,
      %shift_right_logical3A_289 = arith.constant 16 : i32
      %shift_right_logical3A_290 = vector.broadcast %shift_right_logical3A_289 : i32 to vector<16xi32>
      %shift_right_logical3A_291 = arith.shrui %get3A_281, %shift_right_logical3A_290 : vector<16xi32>
      %swap3A_292 = arith.constant 96 : index
      %swap3A_293 = tpu.vector_load %arg10[%swap3A_292] {strides = array<i32>} : memref<128xi32, #tpu.memory_space<vmem>>, vector<16xi32>,
      %swap3A_294 = vector.shape_cast %swap3A_293 : vector<16xi32> to vector<16xi32>
      %swap3A_295 = vector.shape_cast %shift_right_logical3A_291 : vector<16xi32> to vector<16xi32>
      tpu.vector_store %arg10[%swap3A_292], %swap3A_295 {strides = array<i32>} : memref<128xi32, #tpu.memory_space<vmem>>, vector<16xi32>,
      %get3A_296 = arith.index_cast %add3A_169 : i32 to index
      %get3A_297 = arith.constant 112 : index
      %get3A_298 = tpu.vector_load %arg6[%get3A_296, %get3A_297] {strides = array<i32>} : memref<79x128xi32, #tpu.memory_space<vmem>>, vector<1x16xi32>,
      %get3A_299 = vector.shape_cast %get3A_298 : vector<1x16xi32> to vector<16xi32>
      %and3A_300 = arith.constant 65535 : i32
      %and3A_301 = vector.broadcast %and3A_300 : i32 to vector<16xi32>
      %and3A_302 = arith.andi %get3A_299, %and3A_301 : vector<16xi32>
      %swap3A_303 = arith.constant 112 : index
      %swap3A_304 = tpu.vector_load %arg9[%swap3A_303] {strides = array<i32>} : memref<128xi32, #tpu.memory_space<vmem>>, vector<16xi32>,
      %swap3A_305 = vector.shape_cast %swap3A_304 : vector<16xi32> to vector<16xi32>
      %swap3A_306 = vector.shape_cast %and3A_302 : vector<16xi32> to vector<16xi32>
      tpu.vector_store %arg9[%swap3A_303], %swap3A_306 {strides = array<i32>} : memref<128xi32, #tpu.memory_space<vmem>>, vector<16xi32>,
      %shift_right_logical3A_307 = arith.constant 16 : i32
      %shift_right_logical3A_308 = vector.broadcast %shift_right_logical3A_307 : i32 to vector<16xi32>
      %shift_right_logical3A_309 = arith.shrui %get3A_299, %shift_right_logical3A_308 : vector<16xi32>
      %swap3A_310 = arith.constant 112 : index
      %swap3A_311 = tpu.vector_load %arg10[%swap3A_310] {strides = array<i32>} : memref<128xi32, #tpu.memory_space<vmem>>, vector<16xi32>,
      %swap3A_312 = vector.shape_cast %swap3A_311 : vector<16xi32> to vector<16xi32>
      %swap3A_313 = vector.shape_cast %shift_right_logical3A_309 : vector<16xi32> to vector<16xi32>
      tpu.vector_store %arg10[%swap3A_310], %swap3A_313 {strides = array<i32>} : memref<128xi32, #tpu.memory_space<vmem>>, vector<16xi32>,
      %dma_start3A_314 = arith.constant 0 : i32
      %dma_start3A_315 = arith.constant 0 : i32
      %dma_start3A_316 = tpu.memref_slice %arg2[%dma_start3A_314, %dma_start3A_315] : memref<10000x128xf32, #tpu.memory_space<hbm>> -> memref<10000x128xf32, #tpu.memory_space<hbm>>
      tpu.enqueue_indirect_dma source(%dma_start3A_316 : memref<10000x128xf32, #tpu.memory_space<hbm>>) target(%arg12 : memref<128x128xf32, #tpu.memory_space<vmem>>) offsets(%arg9 : memref<128xi32, #tpu.memory_space<vmem>>) semaphore(%arg15 : memref<!tpu.dma_semaphore, #tpu.memory_space<semaphore_mem>>)
      %dma_wait3A_317 = arith.constant 0 : i32
      %dma_wait3A_318 = arith.constant 0 : i32
      %dma_wait3A_319 = tpu.memref_slice %arg2[%dma_wait3A_317, %dma_wait3A_318] : memref<10000x128xf32, #tpu.memory_space<hbm>> -> memref<10000x128xf32, #tpu.memory_space<hbm>>
      tpu.wait_indirect_dma semaphore(%arg14 : memref<!tpu.dma_semaphore, #tpu.memory_space<semaphore_mem>>) src(%dma_wait3A_319 : memref<10000x128xf32, #tpu.memory_space<hbm>>) dst(%arg11 : memref<128x128xf32, #tpu.memory_space<vmem>>)
      "tpu.region"() ({
        %run_scoped3A = tpu.sem_alloc : memref<!tpu.dma_semaphore, #tpu.memory_space<semaphore_mem>>
        %dma_start3A_472 = arith.constant 0 : i32
        %dma_start3A_473 = arith.constant 0 : i32
        %dma_start3A_474 = tpu.memref_slice %arg13[%dma_start3A_472, %dma_start3A_473] : memref<10240x128xf32, #tpu.memory_space<vmem_shared>> -> memref<10240x128xf32, #tpu.memory_space<vmem_shared>>
        tpu.enqueue_indirect_dma source(%arg11 : memref<128x128xf32, #tpu.memory_space<vmem>>) target(%dma_start3A_474 : memref<10240x128xf32, #tpu.memory_space<vmem_shared>>) offsets(%arg8 : memref<128xi32, #tpu.memory_space<vmem>>) semaphore(%run_scoped3A : memref<!tpu.dma_semaphore, #tpu.memory_space<semaphore_mem>>) {add = true}
        %dma_wait3A_475 = arith.constant 0 : i32
        %dma_wait3A_476 = arith.constant 0 : i32
        %dma_wait3A_477 = tpu.memref_slice %arg13[%dma_wait3A_475, %dma_wait3A_476] : memref<10240x128xf32, #tpu.memory_space<vmem_shared>> -> memref<10240x128xf32, #tpu.memory_space<vmem_shared>>
        tpu.wait_indirect_dma semaphore(%run_scoped3A : memref<!tpu.dma_semaphore, #tpu.memory_space<semaphore_mem>>) src(%arg11 : memref<128x128xf32, #tpu.memory_space<vmem>>) dst(%dma_wait3A_477 : memref<10240x128xf32, #tpu.memory_space<vmem_shared>>)
        tpu.yield
      }) : () -> ()
      %add3A_320 = arith.constant 2 : i32
      %add3A_321 = arith.addi %mul3A_167, %add3A_320 : i32
      %get3A_322 = arith.index_cast %add3A_321 : i32 to index
      %get3A_323 = arith.constant 0 : index
      %get3A_324 = tpu.vector_load %arg6[%get3A_322, %get3A_323] {strides = array<i32>} : memref<79x128xi32, #tpu.memory_space<vmem>>, vector<1x16xi32>,
      %get3A_325 = vector.shape_cast %get3A_324 : vector<1x16xi32> to vector<16xi32>
      %and3A_326 = arith.constant 65535 : i32
      %and3A_327 = vector.broadcast %and3A_326 : i32 to vector<16xi32>
      %and3A_328 = arith.andi %get3A_325, %and3A_327 : vector<16xi32>
      %swap3A_329 = arith.constant 0 : index
      %swap3A_330 = tpu.vector_load %arg7[%swap3A_329] {strides = array<i32>} : memref<128xi32, #tpu.memory_space<vmem>>, vector<16xi32>,
      %swap3A_331 = vector.shape_cast %swap3A_330 : vector<16xi32> to vector<16xi32>
      %swap3A_332 = vector.shape_cast %and3A_328 : vector<16xi32> to vector<16xi32>
      tpu.vector_store %arg7[%swap3A_329], %swap3A_332 {strides = array<i32>} : memref<128xi32, #tpu.memory_space<vmem>>, vector<16xi32>,
      %shift_right_logical3A_333 = arith.constant 16 : i32
      %shift_right_logical3A_334 = vector.broadcast %shift_right_logical3A_333 : i32 to vector<16xi32>
      %shift_right_logical3A_335 = arith.shrui %get3A_325, %shift_right_logical3A_334 : vector<16xi32>
      %swap3A_336 = arith.constant 0 : index
      %swap3A_337 = tpu.vector_load %arg8[%swap3A_336] {strides = array<i32>} : memref<128xi32, #tpu.memory_space<vmem>>, vector<16xi32>,
      %swap3A_338 = vector.shape_cast %swap3A_337 : vector<16xi32> to vector<16xi32>
      %swap3A_339 = vector.shape_cast %shift_right_logical3A_335 : vector<16xi32> to vector<16xi32>
      tpu.vector_store %arg8[%swap3A_336], %swap3A_339 {strides = array<i32>} : memref<128xi32, #tpu.memory_space<vmem>>, vector<16xi32>,
      %get3A_340 = arith.index_cast %add3A_321 : i32 to index
      %get3A_341 = arith.constant 16 : index
      %get3A_342 = tpu.vector_load %arg6[%get3A_340, %get3A_341] {strides = array<i32>} : memref<79x128xi32, #tpu.memory_space<vmem>>, vector<1x16xi32>,
      %get3A_343 = vector.shape_cast %get3A_342 : vector<1x16xi32> to vector<16xi32>
      %and3A_344 = arith.constant 65535 : i32
      %and3A_345 = vector.broadcast %and3A_344 : i32 to vector<16xi32>
      %and3A_346 = arith.andi %get3A_343, %and3A_345 : vector<16xi32>
      %swap3A_347 = arith.constant 16 : index
      %swap3A_348 = tpu.vector_load %arg7[%swap3A_347] {strides = array<i32>} : memref<128xi32, #tpu.memory_space<vmem>>, vector<16xi32>,
      %swap3A_349 = vector.shape_cast %swap3A_348 : vector<16xi32> to vector<16xi32>
      %swap3A_350 = vector.shape_cast %and3A_346 : vector<16xi32> to vector<16xi32>
      tpu.vector_store %arg7[%swap3A_347], %swap3A_350 {strides = array<i32>} : memref<128xi32, #tpu.memory_space<vmem>>, vector<16xi32>,
      %shift_right_logical3A_351 = arith.constant 16 : i32
      %shift_right_logical3A_352 = vector.broadcast %shift_right_logical3A_351 : i32 to vector<16xi32>
      %shift_right_logical3A_353 = arith.shrui %get3A_343, %shift_right_logical3A_352 : vector<16xi32>
      %swap3A_354 = arith.constant 16 : index
      %swap3A_355 = tpu.vector_load %arg8[%swap3A_354] {strides = array<i32>} : memref<128xi32, #tpu.memory_space<vmem>>, vector<16xi32>,
      %swap3A_356 = vector.shape_cast %swap3A_355 : vector<16xi32> to vector<16xi32>
      %swap3A_357 = vector.shape_cast %shift_right_logical3A_353 : vector<16xi32> to vector<16xi32>
      tpu.vector_store %arg8[%swap3A_354], %swap3A_357 {strides = array<i32>} : memref<128xi32, #tpu.memory_space<vmem>>, vector<16xi32>,
      %get3A_358 = arith.index_cast %add3A_321 : i32 to index
      %get3A_359 = arith.constant 32 : index
      %get3A_360 = tpu.vector_load %arg6[%get3A_358, %get3A_359] {strides = array<i32>} : memref<79x128xi32, #tpu.memory_space<vmem>>, vector<1x16xi32>,
      %get3A_361 = vector.shape_cast %get3A_360 : vector<1x16xi32> to vector<16xi32>
      %and3A_362 = arith.constant 65535 : i32
      %and3A_363 = vector.broadcast %and3A_362 : i32 to vector<16xi32>
      %and3A_364 = arith.andi %get3A_361, %and3A_363 : vector<16xi32>
      %swap3A_365 = arith.constant 32 : index
      %swap3A_366 = tpu.vector_load %arg7[%swap3A_365] {strides = array<i32>} : memref<128xi32, #tpu.memory_space<vmem>>, vector<16xi32>,
      %swap3A_367 = vector.shape_cast %swap3A_366 : vector<16xi32> to vector<16xi32>
      %swap3A_368 = vector.shape_cast %and3A_364 : vector<16xi32> to vector<16xi32>
      tpu.vector_store %arg7[%swap3A_365], %swap3A_368 {strides = array<i32>} : memref<128xi32, #tpu.memory_space<vmem>>, vector<16xi32>,
      %shift_right_logical3A_369 = arith.constant 16 : i32
      %shift_right_logical3A_370 = vector.broadcast %shift_right_logical3A_369 : i32 to vector<16xi32>
      %shift_right_logical3A_371 = arith.shrui %get3A_361, %shift_right_logical3A_370 : vector<16xi32>
      %swap3A_372 = arith.constant 32 : index
      %swap3A_373 = tpu.vector_load %arg8[%swap3A_372] {strides = array<i32>} : memref<128xi32, #tpu.memory_space<vmem>>, vector<16xi32>,
      %swap3A_374 = vector.shape_cast %swap3A_373 : vector<16xi32> to vector<16xi32>
      %swap3A_375 = vector.shape_cast %shift_right_logical3A_371 : vector<16xi32> to vector<16xi32>
      tpu.vector_store %arg8[%swap3A_372], %swap3A_375 {strides = array<i32>} : memref<128xi32, #tpu.memory_space<vmem>>, vector<16xi32>,
      %get3A_376 = arith.index_cast %add3A_321 : i32 to index
      %get3A_377 = arith.constant 48 : index
      %get3A_378 = tpu.vector_load %arg6[%get3A_376, %get3A_377] {strides = array<i32>} : memref<79x128xi32, #tpu.memory_space<vmem>>, vector<1x16xi32>,
      %get3A_379 = vector.shape_cast %get3A_378 : vector<1x16xi32> to vector<16xi32>
      %and3A_380 = arith.constant 65535 : i32
      %and3A_381 = vector.broadcast %and3A_380 : i32 to vector<16xi32>
      %and3A_382 = arith.andi %get3A_379, %and3A_381 : vector<16xi32>
      %swap3A_383 = arith.constant 48 : index
      %swap3A_384 = tpu.vector_load %arg7[%swap3A_383] {strides = array<i32>} : memref<128xi32, #tpu.memory_space<vmem>>, vector<16xi32>,
      %swap3A_385 = vector.shape_cast %swap3A_384 : vector<16xi32> to vector<16xi32>
      %swap3A_386 = vector.shape_cast %and3A_382 : vector<16xi32> to vector<16xi32>
      tpu.vector_store %arg7[%swap3A_383], %swap3A_386 {strides = array<i32>} : memref<128xi32, #tpu.memory_space<vmem>>, vector<16xi32>,
      %shift_right_logical3A_387 = arith.constant 16 : i32
      %shift_right_logical3A_388 = vector.broadcast %shift_right_logical3A_387 : i32 to vector<16xi32>
      %shift_right_logical3A_389 = arith.shrui %get3A_379, %shift_right_logical3A_388 : vector<16xi32>
      %swap3A_390 = arith.constant 48 : index
      %swap3A_391 = tpu.vector_load %arg8[%swap3A_390] {strides = array<i32>} : memref<128xi32, #tpu.memory_space<vmem>>, vector<16xi32>,
      %swap3A_392 = vector.shape_cast %swap3A_391 : vector<16xi32> to vector<16xi32>
      %swap3A_393 = vector.shape_cast %shift_right_logical3A_389 : vector<16xi32> to vector<16xi32>
      tpu.vector_store %arg8[%swap3A_390], %swap3A_393 {strides = array<i32>} : memref<128xi32, #tpu.memory_space<vmem>>, vector<16xi32>,
      %get3A_394 = arith.index_cast %add3A_321 : i32 to index
      %get3A_395 = arith.constant 64 : index
      %get3A_396 = tpu.vector_load %arg6[%get3A_394, %get3A_395] {strides = array<i32>} : memref<79x128xi32, #tpu.memory_space<vmem>>, vector<1x16xi32>,
      %get3A_397 = vector.shape_cast %get3A_396 : vector<1x16xi32> to vector<16xi32>
      %and3A_398 = arith.constant 65535 : i32
      %and3A_399 = vector.broadcast %and3A_398 : i32 to vector<16xi32>
      %and3A_400 = arith.andi %get3A_397, %and3A_399 : vector<16xi32>
      %swap3A_401 = arith.constant 64 : index
      %swap3A_402 = tpu.vector_load %arg7[%swap3A_401] {strides = array<i32>} : memref<128xi32, #tpu.memory_space<vmem>>, vector<16xi32>,
      %swap3A_403 = vector.shape_cast %swap3A_402 : vector<16xi32> to vector<16xi32>
      %swap3A_404 = vector.shape_cast %and3A_400 : vector<16xi32> to vector<16xi32>
      tpu.vector_store %arg7[%swap3A_401], %swap3A_404 {strides = array<i32>} : memref<128xi32, #tpu.memory_space<vmem>>, vector<16xi32>,
      %shift_right_logical3A_405 = arith.constant 16 : i32
      %shift_right_logical3A_406 = vector.broadcast %shift_right_logical3A_405 : i32 to vector<16xi32>
      %shift_right_logical3A_407 = arith.shrui %get3A_397, %shift_right_logical3A_406 : vector<16xi32>
      %swap3A_408 = arith.constant 64 : index
      %swap3A_409 = tpu.vector_load %arg8[%swap3A_408] {strides = array<i32>} : memref<128xi32, #tpu.memory_space<vmem>>, vector<16xi32>,
      %swap3A_410 = vector.shape_cast %swap3A_409 : vector<16xi32> to vector<16xi32>
      %swap3A_411 = vector.shape_cast %shift_right_logical3A_407 : vector<16xi32> to vector<16xi32>
      tpu.vector_store %arg8[%swap3A_408], %swap3A_411 {strides = array<i32>} : memref<128xi32, #tpu.memory_space<vmem>>, vector<16xi32>,
      %get3A_412 = arith.index_cast %add3A_321 : i32 to index
      %get3A_413 = arith.constant 80 : index
      %get3A_414 = tpu.vector_load %arg6[%get3A_412, %get3A_413] {strides = array<i32>} : memref<79x128xi32, #tpu.memory_space<vmem>>, vector<1x16xi32>,
      %get3A_415 = vector.shape_cast %get3A_414 : vector<1x16xi32> to vector<16xi32>
      %and3A_416 = arith.constant 65535 : i32
      %and3A_417 = vector.broadcast %and3A_416 : i32 to vector<16xi32>
      %and3A_418 = arith.andi %get3A_415, %and3A_417 : vector<16xi32>
      %swap3A_419 = arith.constant 80 : index
      %swap3A_420 = tpu.vector_load %arg7[%swap3A_419] {strides = array<i32>} : memref<128xi32, #tpu.memory_space<vmem>>, vector<16xi32>,
      %swap3A_421 = vector.shape_cast %swap3A_420 : vector<16xi32> to vector<16xi32>
      %swap3A_422 = vector.shape_cast %and3A_418 : vector<16xi32> to vector<16xi32>
      tpu.vector_store %arg7[%swap3A_419], %swap3A_422 {strides = array<i32>} : memref<128xi32, #tpu.memory_space<vmem>>, vector<16xi32>,
      %shift_right_logical3A_423 = arith.constant 16 : i32
      %shift_right_logical3A_424 = vector.broadcast %shift_right_logical3A_423 : i32 to vector<16xi32>
      %shift_right_logical3A_425 = arith.shrui %get3A_415, %shift_right_logical3A_424 : vector<16xi32>
      %swap3A_426 = arith.constant 80 : index
      %swap3A_427 = tpu.vector_load %arg8[%swap3A_426] {strides = array<i32>} : memref<128xi32, #tpu.memory_space<vmem>>, vector<16xi32>,
      %swap3A_428 = vector.shape_cast %swap3A_427 : vector<16xi32> to vector<16xi32>
      %swap3A_429 = vector.shape_cast %shift_right_logical3A_425 : vector<16xi32> to vector<16xi32>
      tpu.vector_store %arg8[%swap3A_426], %swap3A_429 {strides = array<i32>} : memref<128xi32, #tpu.memory_space<vmem>>, vector<16xi32>,
      %get3A_430 = arith.index_cast %add3A_321 : i32 to index
      %get3A_431 = arith.constant 96 : index
      %get3A_432 = tpu.vector_load %arg6[%get3A_430, %get3A_431] {strides = array<i32>} : memref<79x128xi32, #tpu.memory_space<vmem>>, vector<1x16xi32>,
      %get3A_433 = vector.shape_cast %get3A_432 : vector<1x16xi32> to vector<16xi32>
      %and3A_434 = arith.constant 65535 : i32
      %and3A_435 = vector.broadcast %and3A_434 : i32 to vector<16xi32>
      %and3A_436 = arith.andi %get3A_433, %and3A_435 : vector<16xi32>
      %swap3A_437 = arith.constant 96 : index
      %swap3A_438 = tpu.vector_load %arg7[%swap3A_437] {strides = array<i32>} : memref<128xi32, #tpu.memory_space<vmem>>, vector<16xi32>,
      %swap3A_439 = vector.shape_cast %swap3A_438 : vector<16xi32> to vector<16xi32>
      %swap3A_440 = vector.shape_cast %and3A_436 : vector<16xi32> to vector<16xi32>
      tpu.vector_store %arg7[%swap3A_437], %swap3A_440 {strides = array<i32>} : memref<128xi32, #tpu.memory_space<vmem>>, vector<16xi32>,
      %shift_right_logical3A_441 = arith.constant 16 : i32
      %shift_right_logical3A_442 = vector.broadcast %shift_right_logical3A_441 : i32 to vector<16xi32>
      %shift_right_logical3A_443 = arith.shrui %get3A_433, %shift_right_logical3A_442 : vector<16xi32>
      %swap3A_444 = arith.constant 96 : index
      %swap3A_445 = tpu.vector_load %arg8[%swap3A_444] {strides = array<i32>} : memref<128xi32, #tpu.memory_space<vmem>>, vector<16xi32>,
      %swap3A_446 = vector.shape_cast %swap3A_445 : vector<16xi32> to vector<16xi32>
      %swap3A_447 = vector.shape_cast %shift_right_logical3A_443 : vector<16xi32> to vector<16xi32>
      tpu.vector_store %arg8[%swap3A_444], %swap3A_447 {strides = array<i32>} : memref<128xi32, #tpu.memory_space<vmem>>, vector<16xi32>,
      %get3A_448 = arith.index_cast %add3A_321 : i32 to index
      %get3A_449 = arith.constant 112 : index
      %get3A_450 = tpu.vector_load %arg6[%get3A_448, %get3A_449] {strides = array<i32>} : memref<79x128xi32, #tpu.memory_space<vmem>>, vector<1x16xi32>,
      %get3A_451 = vector.shape_cast %get3A_450 : vector<1x16xi32> to vector<16xi32>
      %and3A_452 = arith.constant 65535 : i32
      %and3A_453 = vector.broadcast %and3A_452 : i32 to vector<16xi32>
      %and3A_454 = arith.andi %get3A_451, %and3A_453 : vector<16xi32>
      %swap3A_455 = arith.constant 112 : index
      %swap3A_456 = tpu.vector_load %arg7[%swap3A_455] {strides = array<i32>} : memref<128xi32, #tpu.memory_space<vmem>>, vector<16xi32>,
      %swap3A_457 = vector.shape_cast %swap3A_456 : vector<16xi32> to vector<16xi32>
      %swap3A_458 = vector.shape_cast %and3A_454 : vector<16xi32> to vector<16xi32>
      tpu.vector_store %arg7[%swap3A_455], %swap3A_458 {strides = array<i32>} : memref<128xi32, #tpu.memory_space<vmem>>, vector<16xi32>,
      %shift_right_logical3A_459 = arith.constant 16 : i32
      %shift_right_logical3A_460 = vector.broadcast %shift_right_logical3A_459 : i32 to vector<16xi32>
      %shift_right_logical3A_461 = arith.shrui %get3A_451, %shift_right_logical3A_460 : vector<16xi32>
      %swap3A_462 = arith.constant 112 : index
      %swap3A_463 = tpu.vector_load %arg8[%swap3A_462] {strides = array<i32>} : memref<128xi32, #tpu.memory_space<vmem>>, vector<16xi32>,
      %swap3A_464 = vector.shape_cast %swap3A_463 : vector<16xi32> to vector<16xi32>
      %swap3A_465 = vector.shape_cast %shift_right_logical3A_461 : vector<16xi32> to vector<16xi32>
      tpu.vector_store %arg8[%swap3A_462], %swap3A_465 {strides = array<i32>} : memref<128xi32, #tpu.memory_space<vmem>>, vector<16xi32>,
      %dma_start3A_466 = arith.constant 0 : i32
      %dma_start3A_467 = arith.constant 0 : i32
      %dma_start3A_468 = tpu.memref_slice %arg2[%dma_start3A_466, %dma_start3A_467] : memref<10000x128xf32, #tpu.memory_space<hbm>> -> memref<10000x128xf32, #tpu.memory_space<hbm>>
      tpu.enqueue_indirect_dma source(%dma_start3A_468 : memref<10000x128xf32, #tpu.memory_space<hbm>>) target(%arg11 : memref<128x128xf32, #tpu.memory_space<vmem>>) offsets(%arg7 : memref<128xi32, #tpu.memory_space<vmem>>) semaphore(%arg14 : memref<!tpu.dma_semaphore, #tpu.memory_space<semaphore_mem>>)
      %dma_wait3A_469 = arith.constant 0 : i32
      %dma_wait3A_470 = arith.constant 0 : i32
      %dma_wait3A_471 = tpu.memref_slice %arg2[%dma_wait3A_469, %dma_wait3A_470] : memref<10000x128xf32, #tpu.memory_space<hbm>> -> memref<10000x128xf32, #tpu.memory_space<hbm>>
      tpu.wait_indirect_dma semaphore(%arg15 : memref<!tpu.dma_semaphore, #tpu.memory_space<semaphore_mem>>) src(%dma_wait3A_471 : memref<10000x128xf32, #tpu.memory_space<hbm>>) dst(%arg12 : memref<128x128xf32, #tpu.memory_space<vmem>>)
      "tpu.region"() ({
        %run_scoped3A = tpu.sem_alloc : memref<!tpu.dma_semaphore, #tpu.memory_space<semaphore_mem>>
        %dma_start3A_472 = arith.constant 0 : i32
        %dma_start3A_473 = arith.constant 0 : i32
        %dma_start3A_474 = tpu.memref_slice %arg13[%dma_start3A_472, %dma_start3A_473] : memref<10240x128xf32, #tpu.memory_space<vmem_shared>> -> memref<10240x128xf32, #tpu.memory_space<vmem_shared>>
        tpu.enqueue_indirect_dma source(%arg12 : memref<128x128xf32, #tpu.memory_space<vmem>>) target(%dma_start3A_474 : memref<10240x128xf32, #tpu.memory_space<vmem_shared>>) offsets(%arg10 : memref<128xi32, #tpu.memory_space<vmem>>) semaphore(%run_scoped3A : memref<!tpu.dma_semaphore, #tpu.memory_space<semaphore_mem>>) {add = true}
        %dma_wait3A_475 = arith.constant 0 : i32
        %dma_wait3A_476 = arith.constant 0 : i32
        %dma_wait3A_477 = tpu.memref_slice %arg13[%dma_wait3A_475, %dma_wait3A_476] : memref<10240x128xf32, #tpu.memory_space<vmem_shared>> -> memref<10240x128xf32, #tpu.memory_space<vmem_shared>>
        tpu.wait_indirect_dma semaphore(%run_scoped3A : memref<!tpu.dma_semaphore, #tpu.memory_space<semaphore_mem>>) src(%arg12 : memref<128x128xf32, #tpu.memory_space<vmem>>) dst(%dma_wait3A_477 : memref<10240x128xf32, #tpu.memory_space<vmem_shared>>)
        tpu.yield
      }) : () -> ()
    }
    %scan3A_157 = arith.constant 39 : i32
    %dma_wait3A = arith.constant 0 : i32
    %dma_wait3A_158 = arith.constant 0 : i32
    %dma_wait3A_159 = tpu.memref_slice %arg2[%dma_wait3A, %dma_wait3A_158] : memref<10000x128xf32, #tpu.memory_space<hbm>> -> memref<10000x128xf32, #tpu.memory_space<hbm>>
    tpu.wait_indirect_dma semaphore(%arg14 : memref<!tpu.dma_semaphore, #tpu.memory_space<semaphore_mem>>) src(%dma_wait3A_159 : memref<10000x128xf32, #tpu.memory_space<hbm>>) dst(%arg11 : memref<128x128xf32, #tpu.memory_space<vmem>>)
    "tpu.region"() ({
      %run_scoped3A = tpu.sem_alloc : memref<!tpu.dma_semaphore, #tpu.memory_space<semaphore_mem>>
      %dma_start3A_165 = arith.constant 0 : i32
      %dma_start3A_166 = arith.constant 0 : i32
      %dma_start3A_167 = tpu.memref_slice %arg13[%dma_start3A_165, %dma_start3A_166] : memref<10240x128xf32, #tpu.memory_space<vmem_shared>> -> memref<10240x128xf32, #tpu.memory_space<vmem_shared>>
      tpu.enqueue_indirect_dma source(%arg11 : memref<128x128xf32, #tpu.memory_space<vmem>>) target(%dma_start3A_167 : memref<10240x128xf32, #tpu.memory_space<vmem_shared>>) offsets(%arg8 : memref<128xi32, #tpu.memory_space<vmem>>) semaphore(%run_scoped3A : memref<!tpu.dma_semaphore, #tpu.memory_space<semaphore_mem>>) {add = true}
      %dma_wait3A_168 = arith.constant 0 : i32
      %dma_wait3A_169 = arith.constant 0 : i32
      %dma_wait3A_170 = tpu.memref_slice %arg13[%dma_wait3A_168, %dma_wait3A_169] : memref<10240x128xf32, #tpu.memory_space<vmem_shared>> -> memref<10240x128xf32, #tpu.memory_space<vmem_shared>>
      tpu.wait_indirect_dma semaphore(%run_scoped3A : memref<!tpu.dma_semaphore, #tpu.memory_space<semaphore_mem>>) src(%arg11 : memref<128x128xf32, #tpu.memory_space<vmem>>) dst(%dma_wait3A_170 : memref<10240x128xf32, #tpu.memory_space<vmem_shared>>)
      tpu.yield
    }) : () -> ()
    %barrier3A_160 = arith.constant 0 : index
    tpu.barrier barrier_id(%barrier3A_160)
    %mul3A_161 = arith.constant 640 : i32
    %mul3A_162 = arith.muli %arg1, %mul3A_161 : i32
    %mul3A_163 = arith.constant 640 : i32
    %mul3A_164 = arith.muli %arg1, %mul3A_163 : i32
    "tpu.region"() ({
      %run_scoped3A = tpu.sem_alloc : memref<!tpu.dma_semaphore, #tpu.memory_space<semaphore_mem>>
      %dma_start3A_165 = arith.constant 0 : i32
      %dma_start3A_166 = tpu.memref_slice %arg5[%arg0, %mul3A_164, %dma_start3A_165] : memref<2x10240x128xf32, #tpu.memory_space<hbm>> -> memref<1x640x128xf32, #tpu.memory_space<hbm>>
      %dma_start3A_167 = tpu.memref_squeeze %dma_start3A_166 : memref<1x640x128xf32, #tpu.memory_space<hbm>> -> memref<640x128xf32, #tpu.memory_space<hbm>>
      %dma_start3A_168 = arith.constant 0 : i32
      %dma_start3A_169 = tpu.memref_slice %arg13[%mul3A_162, %dma_start3A_168] : memref<10240x128xf32, #tpu.memory_space<vmem_shared>> -> memref<640x128xf32, #tpu.memory_space<vmem_shared>>
      tpu.enqueue_dma source(%dma_start3A_169 : memref<640x128xf32, #tpu.memory_space<vmem_shared>>) target(%dma_start3A_167 : memref<640x128xf32, #tpu.memory_space<hbm>>) target_semaphore(%run_scoped3A : memref<!tpu.dma_semaphore, #tpu.memory_space<semaphore_mem>>)
      %dma_wait3A_170 = arith.constant 0 : i32
      %dma_wait3A_171 = tpu.memref_slice %arg5[%arg0, %mul3A_164, %dma_wait3A_170] : memref<2x10240x128xf32, #tpu.memory_space<hbm>> -> memref<1x640x128xf32, #tpu.memory_space<hbm>>
      %dma_wait3A_172 = tpu.memref_squeeze %dma_wait3A_171 : memref<1x640x128xf32, #tpu.memory_space<hbm>> -> memref<640x128xf32, #tpu.memory_space<hbm>>
      %dma_wait3A_173 = arith.constant 0 : i32
      %dma_wait3A_174 = tpu.memref_slice %arg13[%mul3A_162, %dma_wait3A_173] : memref<10240x128xf32, #tpu.memory_space<vmem_shared>> -> memref<640x128xf32, #tpu.memory_space<vmem_shared>>
      tpu.wait_dma2 semaphore(%run_scoped3A : memref<!tpu.dma_semaphore, #tpu.memory_space<semaphore_mem>>) src(%dma_wait3A_174 : memref<640x128xf32, #tpu.memory_space<vmem_shared>>) dst(%dma_wait3A_172 : memref<640x128xf32, #tpu.memory_space<hbm>>)
      tpu.yield
    }) : () -> ()
    return
  }
}

module attributes {stable_mosaic.version = 14 : i64} {
  func.func @_mlp_body(%arg0: i32, %arg1: memref<2000x128xf32, #tpu.memory_space<vmem>>, %arg2: memref<1x2000x128xf32, #tpu.memory_space<vmem>>, %arg3: memref<1x2000x128xf32, #tpu.memory_space<vmem>>, %arg4: memref<128x128xf32, #tpu.memory_space<vmem>>, %arg5: memref<1x128xf32, #tpu.memory_space<vmem>>, %arg6: memref<128x128xf32, #tpu.memory_space<vmem>>, %arg7: memref<1x128xf32, #tpu.memory_space<vmem>>, %arg8: memref<1x128xf32, #tpu.memory_space<vmem>>, %arg9: memref<1x128xf32, #tpu.memory_space<vmem>>, %arg10: memref<2000x128xf32, #tpu.memory_space<vmem>>) attributes {dimension_semantics = [#tpu.dimension_semantics<arbitrary>], iteration_bounds = array<i64: 5>, scalar_prefetch = 0 : i64, scratch_operands = 0 : i64, tpu.core_type = #tpu.core_type<tc>, window_params = [{transform_indices = @transform_0, window_bounds = array<i64: 2000, 128>}, {transform_indices = @transform_1, window_bounds = array<i64: 1, 2000, 128>}, {transform_indices = @transform_2, window_bounds = array<i64: 1, 2000, 128>}, {pipeline_mode = #tpu.pipeline_mode<synchronous>, transform_indices = @transform_3, window_bounds = array<i64: 128, 128>}, {pipeline_mode = #tpu.pipeline_mode<synchronous>, transform_indices = @transform_4, window_bounds = array<i64: 1, 128>}, {pipeline_mode = #tpu.pipeline_mode<synchronous>, transform_indices = @transform_5, window_bounds = array<i64: 128, 128>}, {pipeline_mode = #tpu.pipeline_mode<synchronous>, transform_indices = @transform_6, window_bounds = array<i64: 1, 128>}, {pipeline_mode = #tpu.pipeline_mode<synchronous>, transform_indices = @transform_7, window_bounds = array<i64: 1, 128>}, {pipeline_mode = #tpu.pipeline_mode<synchronous>, transform_indices = @transform_8, window_bounds = array<i64: 1, 128>}, {transform_indices = @transform_9, window_bounds = array<i64: 2000, 128>}]} {
    %get3A = arith.constant 0 : index
    %get3A_0 = arith.constant 0 : index
    %get3A_1 = vector.load %arg1[%get3A, %get3A_0] : memref<2000x128xf32, #tpu.memory_space<vmem>>, vector<2000x128xf32>
    %get3A_2 = arith.constant 0 : index
    %get3A_3 = arith.constant 0 : index
    %get3A_4 = arith.constant 0 : index
    %get3A_5 = vector.load %arg2[%get3A_2, %get3A_3, %get3A_4] : memref<1x2000x128xf32, #tpu.memory_space<vmem>>, vector<1x2000x128xf32>
    %get3A_6 = vector.shape_cast %get3A_5 : vector<1x2000x128xf32> to vector<2000x128xf32>
    %add3A = arith.addf %get3A_1, %get3A_6 : vector<2000x128xf32>
    %get3A_7 = arith.constant 0 : index
    %get3A_8 = arith.constant 0 : index
    %get3A_9 = arith.constant 0 : index
    %get3A_10 = vector.load %arg3[%get3A_7, %get3A_8, %get3A_9] : memref<1x2000x128xf32, #tpu.memory_space<vmem>>, vector<1x2000x128xf32>
    %get3A_11 = vector.shape_cast %get3A_10 : vector<1x2000x128xf32> to vector<2000x128xf32>
    %add3A_12 = arith.addf %add3A, %get3A_11 : vector<2000x128xf32>
    %get3A_13 = arith.constant 0 : index
    %get3A_14 = arith.constant 0 : index
    %get3A_15 = vector.load %arg4[%get3A_13, %get3A_14] : memref<128x128xf32, #tpu.memory_space<vmem>>, vector<128x128xf32>
    %dot_general3A = arith.constant dense<0.000000e+00> : vector<2000x128xf32>
    %dot_general3A_16 = tpu.matmul %add3A_12, %get3A_15, %dot_general3A {dimension_numbers = #tpu.dot_dimension_numbers<[1], [0], [0], [1], [0, 0, 1, 1], [], []>, transpose_lhs_hint = false} : vector<2000x128xf32>, vector<128x128xf32>, vector<2000x128xf32> -> vector<2000x128xf32>
    %get3A_17 = arith.constant 0 : index
    %get3A_18 = arith.constant 0 : index
    %get3A_19 = vector.load %arg5[%get3A_17, %get3A_18] : memref<1x128xf32, #tpu.memory_space<vmem>>, vector<1x128xf32>
    %add3A_20 = vector.broadcast %get3A_19 : vector<1x128xf32> to vector<2000x128xf32>
    %add3A_21 = arith.addf %dot_general3A_16, %add3A_20 : vector<2000x128xf32>
    %max3A = arith.constant 0.000000e+00 : f32
    %max3A_22 = vector.broadcast %max3A : f32 to vector<2000x128xf32>
    %max3A_23 = arith.maximumf %add3A_21, %max3A_22 : vector<2000x128xf32>
    %get3A_24 = arith.constant 0 : index
    %get3A_25 = arith.constant 0 : index
    %get3A_26 = vector.load %arg6[%get3A_24, %get3A_25] : memref<128x128xf32, #tpu.memory_space<vmem>>, vector<128x128xf32>
    %dot_general3A_27 = arith.constant dense<0.000000e+00> : vector<2000x128xf32>
    %dot_general3A_28 = tpu.matmul %max3A_23, %get3A_26, %dot_general3A_27 {dimension_numbers = #tpu.dot_dimension_numbers<[1], [0], [0], [1], [0, 0, 1, 1], [], []>, transpose_lhs_hint = false} : vector<2000x128xf32>, vector<128x128xf32>, vector<2000x128xf32> -> vector<2000x128xf32>
    %get3A_29 = arith.constant 0 : index
    %get3A_30 = arith.constant 0 : index
    %get3A_31 = vector.load %arg7[%get3A_29, %get3A_30] : memref<1x128xf32, #tpu.memory_space<vmem>>, vector<1x128xf32>
    %add3A_32 = vector.broadcast %get3A_31 : vector<1x128xf32> to vector<2000x128xf32>
    %add3A_33 = arith.addf %dot_general3A_28, %add3A_32 : vector<2000x128xf32>
    %max3A_34 = arith.constant 0.000000e+00 : f32
    %max3A_35 = vector.broadcast %max3A_34 : f32 to vector<2000x128xf32>
    %max3A_36 = arith.maximumf %add3A_33, %max3A_35 : vector<2000x128xf32>
    %get3A_37 = arith.constant 0 : index
    %get3A_38 = arith.constant 0 : index
    %get3A_39 = vector.load %arg8[%get3A_37, %get3A_38] : memref<1x128xf32, #tpu.memory_space<vmem>>, vector<1x128xf32>
    %mul3A = vector.broadcast %get3A_39 : vector<1x128xf32> to vector<2000x128xf32>
    %mul3A_40 = arith.mulf %max3A_36, %mul3A : vector<2000x128xf32>
    %get3A_41 = arith.constant 0 : index
    %get3A_42 = arith.constant 0 : index
    %get3A_43 = vector.load %arg9[%get3A_41, %get3A_42] : memref<1x128xf32, #tpu.memory_space<vmem>>, vector<1x128xf32>
    %add3A_44 = vector.broadcast %get3A_43 : vector<1x128xf32> to vector<2000x128xf32>
    %add3A_45 = arith.addf %mul3A_40, %add3A_44 : vector<2000x128xf32>
    %swap3A = arith.constant 0 : index
    %swap3A_46 = arith.constant 0 : index
    %swap3A_47 = vector.load %arg10[%swap3A, %swap3A_46] : memref<2000x128xf32, #tpu.memory_space<vmem>>, vector<2000x128xf32>
    tpu.vector_store %arg10[%swap3A, %swap3A_46], %add3A_45 {strides = array<i32>} : memref<2000x128xf32, #tpu.memory_space<vmem>>, vector<2000x128xf32>,
    return
  }
  func.func @transform_0(%arg0: i32) -> (i32, i32) {
    %c0_i32 = arith.constant 0 : i32
    %c0_i32_0 = arith.constant 0 : i32
    return %arg0, %c0_i32 : i32, i32
  }
  func.func @transform_1(%arg0: i32) -> (i32, i32, i32) {
    %c0_i32 = arith.constant 0 : i32
    %c0_i32_0 = arith.constant 0 : i32
    %c0_i32_1 = arith.constant 0 : i32
    return %c0_i32, %arg0, %c0_i32_0 : i32, i32, i32
  }
  func.func @transform_2(%arg0: i32) -> (i32, i32, i32) {
    %c1_i32 = arith.constant 1 : i32
    %c0_i32 = arith.constant 0 : i32
    %c0_i32_0 = arith.constant 0 : i32
    return %c1_i32, %arg0, %c0_i32 : i32, i32, i32
  }
  func.func @transform_3(%arg0: i32) -> (i32, i32) {
    %c0_i32 = arith.constant 0 : i32
    %c0_i32_0 = arith.constant 0 : i32
    %c0_i32_1 = arith.constant 0 : i32
    return %c0_i32, %c0_i32_0 : i32, i32
  }
  func.func @transform_4(%arg0: i32) -> (i32, i32) {
    %c0_i32 = arith.constant 0 : i32
    %c0_i32_0 = arith.constant 0 : i32
    %c0_i32_1 = arith.constant 0 : i32
    return %c0_i32, %c0_i32_0 : i32, i32
  }
  func.func @transform_5(%arg0: i32) -> (i32, i32) {
    %c0_i32 = arith.constant 0 : i32
    %c0_i32_0 = arith.constant 0 : i32
    %c0_i32_1 = arith.constant 0 : i32
    return %c0_i32, %c0_i32_0 : i32, i32
  }
  func.func @transform_6(%arg0: i32) -> (i32, i32) {
    %c0_i32 = arith.constant 0 : i32
    %c0_i32_0 = arith.constant 0 : i32
    %c0_i32_1 = arith.constant 0 : i32
    return %c0_i32, %c0_i32_0 : i32, i32
  }
  func.func @transform_7(%arg0: i32) -> (i32, i32) {
    %c0_i32 = arith.constant 0 : i32
    %c0_i32_0 = arith.constant 0 : i32
    %c0_i32_1 = arith.constant 0 : i32
    return %c0_i32, %c0_i32_0 : i32, i32
  }
  func.func @transform_8(%arg0: i32) -> (i32, i32) {
    %c0_i32 = arith.constant 0 : i32
    %c0_i32_0 = arith.constant 0 : i32
    %c0_i32_1 = arith.constant 0 : i32
    return %c0_i32, %c0_i32_0 : i32, i32
  }
  func.func @transform_9(%arg0: i32) -> (i32, i32) {
    %c0_i32 = arith.constant 0 : i32
    %c0_i32_0 = arith.constant 0 : i32
    return %arg0, %c0_i32 : i32, i32
  }
}

module attributes {stable_mosaic.version = 14 : i64} {
  func.func @_mlp2_pool_body(%arg0: i32, %arg1: memref<2000x128xf32, #tpu.memory_space<vmem>>, %arg2: memref<1x2000x128xf32, #tpu.memory_space<vmem>>, %arg3: memref<1x2000x128xf32, #tpu.memory_space<vmem>>, %arg4: memref<2000x1xi32, #tpu.memory_space<vmem>>, %arg5: memref<128x128xf32, #tpu.memory_space<vmem>>, %arg6: memref<1x128xf32, #tpu.memory_space<vmem>>, %arg7: memref<128x128xf32, #tpu.memory_space<vmem>>, %arg8: memref<1x128xf32, #tpu.memory_space<vmem>>, %arg9: memref<1x128xf32, #tpu.memory_space<vmem>>, %arg10: memref<1x128xf32, #tpu.memory_space<vmem>>, %arg11: memref<128x128xf32, #tpu.memory_space<vmem>>, %arg12: memref<1x128xf32, #tpu.memory_space<vmem>>, %arg13: memref<64x128xf32, #tpu.memory_space<vmem>>, %arg14: memref<64x128xf32, #tpu.memory_space<vmem>>) attributes {dimension_semantics = [#tpu.dimension_semantics<arbitrary>], iteration_bounds = array<i64: 5>, scalar_prefetch = 0 : i64, scratch_operands = 1 : i64, tpu.core_type = #tpu.core_type<tc>, window_params = [{transform_indices = @transform_0, window_bounds = array<i64: 2000, 128>}, {transform_indices = @transform_1, window_bounds = array<i64: 1, 2000, 128>}, {transform_indices = @transform_2, window_bounds = array<i64: 1, 2000, 128>}, {transform_indices = @transform_3, window_bounds = array<i64: 2000, 1>}, {pipeline_mode = #tpu.pipeline_mode<synchronous>, transform_indices = @transform_4, window_bounds = array<i64: 128, 128>}, {pipeline_mode = #tpu.pipeline_mode<synchronous>, transform_indices = @transform_5, window_bounds = array<i64: 1, 128>}, {pipeline_mode = #tpu.pipeline_mode<synchronous>, transform_indices = @transform_6, window_bounds = array<i64: 128, 128>}, {pipeline_mode = #tpu.pipeline_mode<synchronous>, transform_indices = @transform_7, window_bounds = array<i64: 1, 128>}, {pipeline_mode = #tpu.pipeline_mode<synchronous>, transform_indices = @transform_8, window_bounds = array<i64: 1, 128>}, {pipeline_mode = #tpu.pipeline_mode<synchronous>, transform_indices = @transform_9, window_bounds = array<i64: 1, 128>}, {pipeline_mode = #tpu.pipeline_mode<synchronous>, transform_indices = @transform_10, window_bounds = array<i64: 128, 128>}, {pipeline_mode = #tpu.pipeline_mode<synchronous>, transform_indices = @transform_11, window_bounds = array<i64: 1, 128>}, {pipeline_mode = #tpu.pipeline_mode<synchronous>, transform_indices = @transform_12, window_bounds = array<i64: 64, 128>}]} {
    %get3A = arith.constant 0 : index
    %get3A_0 = arith.constant 0 : index
    %get3A_1 = vector.load %arg1[%get3A, %get3A_0] : memref<2000x128xf32, #tpu.memory_space<vmem>>, vector<2000x128xf32>
    %get3A_2 = arith.constant 0 : index
    %get3A_3 = arith.constant 0 : index
    %get3A_4 = arith.constant 0 : index
    %get3A_5 = vector.load %arg2[%get3A_2, %get3A_3, %get3A_4] : memref<1x2000x128xf32, #tpu.memory_space<vmem>>, vector<1x2000x128xf32>
    %get3A_6 = vector.shape_cast %get3A_5 : vector<1x2000x128xf32> to vector<2000x128xf32>
    %add3A = arith.addf %get3A_1, %get3A_6 : vector<2000x128xf32>
    %get3A_7 = arith.constant 0 : index
    %get3A_8 = arith.constant 0 : index
    %get3A_9 = arith.constant 0 : index
    %get3A_10 = vector.load %arg3[%get3A_7, %get3A_8, %get3A_9] : memref<1x2000x128xf32, #tpu.memory_space<vmem>>, vector<1x2000x128xf32>
    %get3A_11 = vector.shape_cast %get3A_10 : vector<1x2000x128xf32> to vector<2000x128xf32>
    %add3A_12 = arith.addf %add3A, %get3A_11 : vector<2000x128xf32>
    %get3A_13 = arith.constant 0 : index
    %get3A_14 = arith.constant 0 : index
    %get3A_15 = vector.load %arg5[%get3A_13, %get3A_14] : memref<128x128xf32, #tpu.memory_space<vmem>>, vector<128x128xf32>
    %dot_general3A = arith.constant dense<0.000000e+00> : vector<2000x128xf32>
    %dot_general3A_16 = tpu.matmul %add3A_12, %get3A_15, %dot_general3A {dimension_numbers = #tpu.dot_dimension_numbers<[1], [0], [0], [1], [0, 0, 1, 1], [], []>, transpose_lhs_hint = false} : vector<2000x128xf32>, vector<128x128xf32>, vector<2000x128xf32> -> vector<2000x128xf32>
    %get3A_17 = arith.constant 0 : index
    %get3A_18 = arith.constant 0 : index
    %get3A_19 = vector.load %arg6[%get3A_17, %get3A_18] : memref<1x128xf32, #tpu.memory_space<vmem>>, vector<1x128xf32>
    %add3A_20 = vector.broadcast %get3A_19 : vector<1x128xf32> to vector<2000x128xf32>
    %add3A_21 = arith.addf %dot_general3A_16, %add3A_20 : vector<2000x128xf32>
    %max3A = arith.constant 0.000000e+00 : f32
    %max3A_22 = vector.broadcast %max3A : f32 to vector<2000x128xf32>
    %max3A_23 = arith.maximumf %add3A_21, %max3A_22 : vector<2000x128xf32>
    %get3A_24 = arith.constant 0 : index
    %get3A_25 = arith.constant 0 : index
    %get3A_26 = vector.load %arg7[%get3A_24, %get3A_25] : memref<128x128xf32, #tpu.memory_space<vmem>>, vector<128x128xf32>
    %dot_general3A_27 = arith.constant dense<0.000000e+00> : vector<2000x128xf32>
    %dot_general3A_28 = tpu.matmul %max3A_23, %get3A_26, %dot_general3A_27 {dimension_numbers = #tpu.dot_dimension_numbers<[1], [0], [0], [1], [0, 0, 1, 1], [], []>, transpose_lhs_hint = false} : vector<2000x128xf32>, vector<128x128xf32>, vector<2000x128xf32> -> vector<2000x128xf32>
    %get3A_29 = arith.constant 0 : index
    %get3A_30 = arith.constant 0 : index
    %get3A_31 = vector.load %arg8[%get3A_29, %get3A_30] : memref<1x128xf32, #tpu.memory_space<vmem>>, vector<1x128xf32>
    %add3A_32 = vector.broadcast %get3A_31 : vector<1x128xf32> to vector<2000x128xf32>
    %add3A_33 = arith.addf %dot_general3A_28, %add3A_32 : vector<2000x128xf32>
    %max3A_34 = arith.constant 0.000000e+00 : f32
    %max3A_35 = vector.broadcast %max3A_34 : f32 to vector<2000x128xf32>
    %max3A_36 = arith.maximumf %add3A_33, %max3A_35 : vector<2000x128xf32>
    %get3A_37 = arith.constant 0 : index
    %get3A_38 = arith.constant 0 : index
    %get3A_39 = vector.load %arg9[%get3A_37, %get3A_38] : memref<1x128xf32, #tpu.memory_space<vmem>>, vector<1x128xf32>
    %mul3A = vector.broadcast %get3A_39 : vector<1x128xf32> to vector<2000x128xf32>
    %mul3A_40 = arith.mulf %max3A_36, %mul3A : vector<2000x128xf32>
    %get3A_41 = arith.constant 0 : index
    %get3A_42 = arith.constant 0 : index
    %get3A_43 = vector.load %arg10[%get3A_41, %get3A_42] : memref<1x128xf32, #tpu.memory_space<vmem>>, vector<1x128xf32>
    %add3A_44 = vector.broadcast %get3A_43 : vector<1x128xf32> to vector<2000x128xf32>
    %add3A_45 = arith.addf %mul3A_40, %add3A_44 : vector<2000x128xf32>
    %get3A_46 = arith.constant 0 : index
    %get3A_47 = arith.constant 0 : index
    %get3A_48 = vector.load %arg4[%get3A_46, %get3A_47] : memref<2000x1xi32, #tpu.memory_space<vmem>>, vector<2000x1xi32>
    %iota3A = tpu.iota {dimensions = array<i32: 1>} : vector<1x64xi32>
    %eq3A = vector.broadcast %get3A_48 : vector<2000x1xi32> to vector<2000x64xi32>
    %eq3A_49 = vector.broadcast %iota3A : vector<1x64xi32> to vector<2000x64xi32>
    %eq3A_50 = arith.cmpi eq, %eq3A, %eq3A_49 : vector<2000x64xi32>
    %convert_element_type3A = arith.extui %eq3A_50 : vector<2000x64xi1> to vector<2000x64xi32>
    %convert_element_type3A_51 = arith.sitofp %convert_element_type3A : vector<2000x64xi32> to vector<2000x64xf32>
    %dot_general3A_52 = arith.constant dense<0.000000e+00> : vector<64x128xf32>
    %dot_general3A_53 = tpu.matmul %convert_element_type3A_51, %add3A_45, %dot_general3A_52 {dimension_numbers = #tpu.dot_dimension_numbers<[0], [0], [1], [1], [0, 1, 1, 1], [], []>, transpose_lhs_hint = false} : vector<2000x64xf32>, vector<2000x128xf32>, vector<64x128xf32> -> vector<64x128xf32>
    %eq3A_54 = arith.constant 0 : i32
    %eq3A_55 = arith.cmpi eq, %arg0, %eq3A_54 : i32
    %convert_element_type3A_56 = arith.extui %eq3A_55 : i1 to i32
    %cond3A = arith.constant 0 : i32
    %cond3A_57 = arith.cmpi ne, %convert_element_type3A_56, %cond3A : i32
    scf.if %cond3A_57 {
      %broadcast_in_dim3A = arith.constant 0.000000e+00 : f32
      %broadcast_in_dim3A_69 = vector.broadcast %broadcast_in_dim3A : f32 to vector<64x128xf32>
      %swap3A_70 = arith.constant 0 : index
      %swap3A_71 = arith.constant 0 : index
      %swap3A_72 = vector.load %arg14[%swap3A_70, %swap3A_71] : memref<64x128xf32, #tpu.memory_space<vmem>>, vector<64x128xf32>
      tpu.vector_store %arg14[%swap3A_70, %swap3A_71], %broadcast_in_dim3A_69 {strides = array<i32>} : memref<64x128xf32, #tpu.memory_space<vmem>>, vector<64x128xf32>,
    } else {
    }
    %get3A_58 = arith.constant 0 : index
    %get3A_59 = arith.constant 0 : index
    %get3A_60 = vector.load %arg14[%get3A_58, %get3A_59] : memref<64x128xf32, #tpu.memory_space<vmem>>, vector<64x128xf32>
    %add3A_61 = arith.addf %get3A_60, %dot_general3A_53 : vector<64x128xf32>
    %swap3A = arith.constant 0 : index
    %swap3A_62 = arith.constant 0 : index
    %swap3A_63 = vector.load %arg14[%swap3A, %swap3A_62] : memref<64x128xf32, #tpu.memory_space<vmem>>, vector<64x128xf32>
    tpu.vector_store %arg14[%swap3A, %swap3A_62], %add3A_61 {strides = array<i32>} : memref<64x128xf32, #tpu.memory_space<vmem>>, vector<64x128xf32>,
    %eq3A_64 = arith.constant 4 : i32
    %eq3A_65 = arith.cmpi eq, %arg0, %eq3A_64 : i32
    %convert_element_type3A_66 = arith.extui %eq3A_65 : i1 to i32
    %cond3A_67 = arith.constant 0 : i32
    %cond3A_68 = arith.cmpi ne, %convert_element_type3A_66, %cond3A_67 : i32
    scf.if %cond3A_68 {
      %get3A_69 = arith.constant 0 : index
      %get3A_70 = arith.constant 0 : index
      %get3A_71 = vector.load %arg14[%get3A_69, %get3A_70] : memref<64x128xf32, #tpu.memory_space<vmem>>, vector<64x128xf32>
      %max3A_72 = arith.constant 0.000000e+00 : f32
      %max3A_73 = vector.broadcast %max3A_72 : f32 to vector<64x128xf32>
      %max3A_74 = arith.maximumf %get3A_71, %max3A_73 : vector<64x128xf32>
      %get3A_75 = arith.constant 0 : index
      %get3A_76 = arith.constant 0 : index
      %get3A_77 = vector.load %arg11[%get3A_75, %get3A_76] : memref<128x128xf32, #tpu.memory_space<vmem>>, vector<128x128xf32>
      %dot_general3A_78 = arith.constant dense<0.000000e+00> : vector<64x128xf32>
      %dot_general3A_79 = tpu.matmul %max3A_74, %get3A_77, %dot_general3A_78 {dimension_numbers = #tpu.dot_dimension_numbers<[1], [0], [0], [1], [0, 0, 1, 1], [], []>, transpose_lhs_hint = false} : vector<64x128xf32>, vector<128x128xf32>, vector<64x128xf32> -> vector<64x128xf32>
      %get3A_80 = arith.constant 0 : index
      %get3A_81 = arith.constant 0 : index
      %get3A_82 = vector.load %arg12[%get3A_80, %get3A_81] : memref<1x128xf32, #tpu.memory_space<vmem>>, vector<1x128xf32>
      %add3A_83 = vector.broadcast %get3A_82 : vector<1x128xf32> to vector<64x128xf32>
      %add3A_84 = arith.addf %dot_general3A_79, %add3A_83 : vector<64x128xf32>
      %swap3A_85 = arith.constant 0 : index
      %swap3A_86 = arith.constant 0 : index
      %swap3A_87 = vector.load %arg13[%swap3A_85, %swap3A_86] : memref<64x128xf32, #tpu.memory_space<vmem>>, vector<64x128xf32>
      tpu.vector_store %arg13[%swap3A_85, %swap3A_86], %add3A_84 {strides = array<i32>} : memref<64x128xf32, #tpu.memory_space<vmem>>, vector<64x128xf32>,
    } else {
    }
    return
  }
  func.func @transform_0(%arg0: i32) -> (i32, i32) {
    %c0_i32 = arith.constant 0 : i32
    %c0_i32_0 = arith.constant 0 : i32
    return %arg0, %c0_i32 : i32, i32
  }
  func.func @transform_1(%arg0: i32) -> (i32, i32, i32) {
    %c0_i32 = arith.constant 0 : i32
    %c0_i32_0 = arith.constant 0 : i32
    %c0_i32_1 = arith.constant 0 : i32
    return %c0_i32, %arg0, %c0_i32_0 : i32, i32, i32
  }
  func.func @transform_2(%arg0: i32) -> (i32, i32, i32) {
    %c1_i32 = arith.constant 1 : i32
    %c0_i32 = arith.constant 0 : i32
    %c0_i32_0 = arith.constant 0 : i32
    return %c1_i32, %arg0, %c0_i32 : i32, i32, i32
  }
  func.func @transform_3(%arg0: i32) -> (i32, i32) {
    %c0_i32 = arith.constant 0 : i32
    %c0_i32_0 = arith.constant 0 : i32
    return %arg0, %c0_i32 : i32, i32
  }
  func.func @transform_4(%arg0: i32) -> (i32, i32) {
    %c0_i32 = arith.constant 0 : i32
    %c0_i32_0 = arith.constant 0 : i32
    %c0_i32_1 = arith.constant 0 : i32
    return %c0_i32, %c0_i32_0 : i32, i32
  }
  func.func @transform_5(%arg0: i32) -> (i32, i32) {
    %c0_i32 = arith.constant 0 : i32
    %c0_i32_0 = arith.constant 0 : i32
    %c0_i32_1 = arith.constant 0 : i32
    return %c0_i32, %c0_i32_0 : i32, i32
  }
  func.func @transform_6(%arg0: i32) -> (i32, i32) {
    %c0_i32 = arith.constant 0 : i32
    %c0_i32_0 = arith.constant 0 : i32
    %c0_i32_1 = arith.constant 0 : i32
    return %c0_i32, %c0_i32_0 : i32, i32
  }
  func.func @transform_7(%arg0: i32) -> (i32, i32) {
    %c0_i32 = arith.constant 0 : i32
    %c0_i32_0 = arith.constant 0 : i32
    %c0_i32_1 = arith.constant 0 : i32
    return %c0_i32, %c0_i32_0 : i32, i32
  }
  func.func @transform_8(%arg0: i32) -> (i32, i32) {
    %c0_i32 = arith.constant 0 : i32
    %c0_i32_0 = arith.constant 0 : i32
    %c0_i32_1 = arith.constant 0 : i32
    return %c0_i32, %c0_i32_0 : i32, i32
  }
  func.func @transform_9(%arg0: i32) -> (i32, i32) {
    %c0_i32 = arith.constant 0 : i32
    %c0_i32_0 = arith.constant 0 : i32
    %c0_i32_1 = arith.constant 0 : i32
    return %c0_i32, %c0_i32_0 : i32, i32
  }
  func.func @transform_10(%arg0: i32) -> (i32, i32) {
    %c0_i32 = arith.constant 0 : i32
    %c0_i32_0 = arith.constant 0 : i32
    %c0_i32_1 = arith.constant 0 : i32
    return %c0_i32, %c0_i32_0 : i32, i32
  }
  func.func @transform_11(%arg0: i32) -> (i32, i32) {
    %c0_i32 = arith.constant 0 : i32
    %c0_i32_0 = arith.constant 0 : i32
    %c0_i32_1 = arith.constant 0 : i32
    return %c0_i32, %c0_i32_0 : i32, i32
  }
  func.func @transform_12(%arg0: i32) -> (i32, i32) {
    %c0_i32 = arith.constant 0 : i32
    %c0_i32_0 = arith.constant 0 : i32
    %c0_i32_1 = arith.constant 0 : i32
    return %c0_i32, %c0_i32_0 : i32, i32
  }
}

</mosaic_0001>

<sc_bundles>
// kernel: kernel.6.cloned.1.call-start
scs
__scs_entry_jumppad:
0x0: {  	(pc) =	sbr.rel $0x88, $3  }
0x1: {  	(tag) =	ssettag $0x0;
	lr =	simm.s32 $0x1  }
0x2: {  	[smem:$0x3F90] =	sst lr;
	_ =	strace $0xD0000000  }
0x3: {  	_ = 	snop  }
0x4: {  	_ = 	snop  }
0x5: {  	_ = 	snop  }
0x6: {  	_ = 	snop  }
0x7: {  	_ = 	snop  }
__scs_overlays_trampoline_lowered:
0x8: {  	[smem:$0x3F9F] =	sst s0  }
0x9: {  	[smem:$0x3FA0] =	sst s1  }
0xa: {  	[smem:$0x3FA1] =	sst s2  }
0xb: {  	[smem:$0x3FA2] =	sst s3  }
0xc: {  	[smem:$0x3FA3] =	sst s4  }
0xd: {  	[smem:$0x3FA4] =	sst s5  }
0xe: {  	[smem:$0x3FA5] =	sst s6  }
0xf: {  	[smem:$0x3FA6] =	sst s7  }
0x10: {  	[smem:$0x3FA7] =	sst s8  }
0x11: {  	[smem:$0x3FA8] =	sst s9;
	s0 =	simm.s32 @!p0 $0x0  }
0x12: {  	s1 =	sld [smem:$0x3F8E];
	s0 =	simm.s32 @p0 $0x1  }
0x13: {  	[smem:$0x3FA9] =	sst s0;
	s0 =	simm.s32 @!p1 $0x0  }
0x14: {  	s2 =	sld [smem:$0x3F8D];
	s0 =	simm.s32 @p1 $0x1  }
0x15: {  	[smem:$0x3FAA] =	sst s0;
	s0 =	simm.s32 @!p2 $0x0  }
0x16: {  	s3 =	sld [smem:$0x3FDB];
	s0 =	simm.s32 @p2 $0x1  }
0x17: {  	s4 =	simm.s32 $0x1BF5;
	[smem:$0x3FAC] =	sst s0  }
0x18: {  	s0 =	sld [smem:$0x3F8F];
	_ =	swait.ge [sflag:s4], $0x0  }
0x19: {  	s7 =	sld [smem:$0x3F90]  }
0x1a: {  	s8 =	sadd.s32 $0xFFFFE003, lr  }
0x1b: {  	s9 =	sadd.s32 $0xFFFFFEF7, lr;
	s5 =	simm.s32 $0xFFFFFFFF;
	p2 =	slt.u32 s8, $0xFFFFF086  }
0x1c: {  	p1 =	slt.u32 s9, $0xF7A;
	s5 =	simm.s32 @!p2 $0x0  }
0x1d: {  	s5 =	simm.s32 @p1 $0x1;
	p0 =	seq.s32 s7, s2  }
0x1e: {  	s7 =	smul.u32 @!p0 $0xF7A, s2;
	p2 =	seq.s32 @!p0 s5, $0x0  }
0x1f: {  	s9 =	smul.u32 $0xF7A, s1;
	s8 =	simm.s32 @!p0 $0x1BF5;
	p2 =	por !p2, p0  }
0x20: {  	[sflag:s8] =	ssyncset.s32 @!p0 $0xFFFFF086;
	s6 =	sadd.s32 @!p0 s3, s7;
	s7 =	simm.s32 @!p0 $0x108  }
0x21: {  	s3 =	sadd.s32 s3, s9;
	s6 =	sadd.s32 @!p0 $0x88, s6;
	s7 =	simm.s32 @p2 $0x1082  }
0x22: {  	[simem:s7], [sflag:s8] =	dma.local @!p0 [hbm:s6], $0xF7A  }
0x23: {  	s9 =	sor.u32 $0xD0000000, s2;
	s6 =	simm.s32 $0x108;
	_ =	swait.ge @!p0 [sflag:s8], $0x0  }
0x24: {  	s3 =	sadd.s32 $0x88, s3;
	s6 =	simm.s32 @!p1 $0x1082;
	[sflag:s4] =	ssyncset.s32 $0xFFFFF086  }
0x25: {  	[simem:s6], [sflag:s4] =	dma.local [hbm:s3], $0xF7A  }
0x26: {  	[smem:$0x3F90] =	sst s1;
	(tag) =	ssettag s2;
	_ =	strace s9  }
0x27: {  	s1 =	sld [smem:$0x3FA0]  }
0x28: {  	s2 =	sld [smem:$0x3FA1]  }
0x29: {  	s4 =	sld [smem:$0x3FA3]  }
0x2a: {  	p0 =	seq.s32 s5, $0x0;
	s5 =	sld [smem:$0x3FA4]  }
0x2b: {  	s6 =	sld [smem:$0x3FA5]  }
0x2c: {  	s7 =	sld [smem:$0x3FA6]  }
0x2d: {  	s3 =	simm.s32 $0x108;
	s8 =	sld [smem:$0x3FA7]  }
0x2e: {  	s3 =	simm.s32 @!p0 $0x1082;
	s9 =	sld [smem:$0x3FA8]  }
0x2f: {  	lr =	sadd.s32 s0, s3;
	s0 =	sld [smem:$0x3F9F]  }
0x30: {  	s3 =	sld [smem:$0x3FA2]  }
0x31: {  	[smem:$0x3FAB] =	sst s10  }
0x32: {  	s10 =	sld [smem:$0x3FA9];
	_ =	sdelay $0x3  }
0x33: {  	p0 =	seq.s32 s10, $0x1;
	s10 =	sld [smem:$0x3FAB];
	_ =	sdelay $0x3  }
0x34: {  	[smem:$0x3FAB] =	sst s10  }
0x35: {  	s10 =	sld [smem:$0x3FAA];
	_ =	sdelay $0x3  }
0x36: {  	p1 =	seq.s32 s10, $0x1;
	s10 =	sld [smem:$0x3FAB];
	_ =	sdelay $0x3  }
0x37: {  	[smem:$0x3FAB] =	sst s10  }
0x38: {  	s10 =	sld [smem:$0x3FAC]  }
0x39: {  	_ = 	snop;
	(pc) =	sbr.ind lr, $3  }
0x3a: {  	_ = 	snop  }
0x3b: {  	_ = 	snop  }
0x3c: {  	p2 =	seq.s32 s10, $0x1;
	s10 =	sld [smem:$0x3FAB]  }
0x3d: {  	_ =	shalt  }
0x3e: {  	_ =	shalt  }
0x3f: {  	_ =	shalt  }
0x40: {  	_ =	shalt  }
0x41: {  	_ =	shalt  }
0x42: {  	_ =	shalt  }
0x43: {  	_ =	shalt  }
0x44: {  	_ =	shalt  }
0x45: {  	_ =	shalt  }
0x46: {  	_ =	shalt  }
0x47: {  	_ =	shalt  }
0x48: {  	_ =	shalt  }
0x49: {  	_ =	shalt  }
0x4a: {  	_ =	shalt  }
0x4b: {  	_ =	shalt  }
0x4c: {  	_ =	shalt  }
0x4d: {  	_ =	shalt  }
0x4e: {  	_ =	shalt  }
0x4f: {  	_ =	shalt  }
0x50: {  	_ =	shalt  }
0x51: {  	_ =	shalt  }
0x52: {  	_ =	shalt  }
0x53: {  	_ =	shalt  }
0x54: {  	_ =	shalt  }
0x55: {  	_ =	shalt  }
0x56: {  	_ =	shalt  }
0x57: {  	_ =	shalt  }
0x58: {  	_ =	shalt  }
0x59: {  	_ =	shalt  }
0x5a: {  	_ =	shalt  }
0x5b: {  	_ =	shalt  }
0x5c: {  	_ =	shalt  }
0x5d: {  	_ =	shalt  }
0x5e: {  	_ =	shalt  }
0x5f: {  	_ =	shalt  }
0x60: {  	_ =	shalt  }
0x61: {  	_ =	shalt  }
0x62: {  	_ =	shalt  }
0x63: {  	_ =	shalt  }
0x64: {  	_ =	shalt  }
0x65: {  	_ =	shalt  }
0x66: {  	_ =	shalt  }
0x67: {  	_ =	shalt  }
0x68: {  	_ =	shalt  }
0x69: {  	_ =	shalt  }
0x6a: {  	_ =	shalt  }
0x6b: {  	_ =	shalt  }
0x6c: {  	_ =	shalt  }
0x6d: {  	_ =	shalt  }
0x6e: {  	_ =	shalt  }
0x6f: {  	_ =	shalt  }
0x70: {  	_ =	shalt  }
0x71: {  	_ =	shalt  }
0x72: {  	_ =	shalt  }
0x73: {  	_ =	shalt  }
0x74: {  	_ =	shalt  }
0x75: {  	_ =	shalt  }
0x76: {  	_ =	shalt  }
0x77: {  	_ =	shalt  }
0x78: {  	_ =	shalt  }
0x79: {  	_ =	shalt  }
0x7a: {  	_ =	shalt  }
0x7b: {  	_ =	shalt  }
0x7c: {  	_ =	shalt  }
0x7d: {  	_ =	shalt  }
0x7e: {  	_ =	shalt  }
0x7f: {  	_ =	shalt  }
0x80: {  	_ =	shalt  }
0x81: {  	_ =	shalt  }
0x82: {  	_ =	shalt  }
0x83: {  	_ =	shalt  }
0x84: {  	_ =	shalt  }
0x85: {  	_ =	shalt  }
0x86: {  	_ =	shalt  }
0x87: {  	_ =	shalt  }
.Lfunc_end0:
.L_simem_size_0:
called_computation_lowered:
.L_overlay_start_0:
0x88: {  	s2 =	sld [smem:$0x3FD9]  }
0x89: {  	s3 =	sld [smem:$0x3FFE];
	_ =	sdelay $0x1  }
0x8a: {  	s1 =	srdreg.scid  }
0x8b: {  	s0 =	sand.u32 $0x1, s1  }
0x8c: {  	s17 =	sshll.u32 s0, $0xA;
	s2 =	sadd.s32 s3, s2  }
0x8d: {  	s2 =	sadd.s32 s2, s17  }
0x8e: {  	[smem:$0x3FB7] =	sst s2  }
0x8f: {  	_ = 	snop  }
0x90: {  	s2 =	sld [smem:$0x3FC9];
	(tm) =	ssettm $0x1  }
0x91: {  	s18 =	sld [smem:$0x3FFB];
	_ =	sdelay $0x3  }
0x92: {  	_ =	strace s18  }
0x93: {  	s3 =	sld [smem:$0x3FFC];
	_ =	sdelay $0x3  }
0x94: {  	_ =	strace s3  }
0x95: {  	s3 =	sld [smem:$0x3FFD];
	_ =	sdelay $0x3  }
0x96: {  	_ =	strace s3  }
0x97: {  	_ =	strace $0x8FFFFFFF  }
0x98: {  	s19 =	sld [smem:$0x3FDB];
	_ =	sdelay $0x1  }
0x99: {  	s4 =	simm.s32 $_scs_section_size  }
0x9a: {  	s5 =	simm.s32 $_size__tile_overlayer_lowered;
	s6 =	simm.s32 $_tile_overlayer_lowered  }
0x9b: {  	s22 =	simm.s32 $0x1BFF;
	s21 =	sshll.u32 s6, $0x1;
	s3 =	sadd.s32 s4, s19  }
0x9c: {  	s7 =	simm.s32 $0x0;
	s20 =	sshll.u32 s5, $0x1;
	s5 =	sadd.s32 s21, s3  }
0x9d: {  	[timem:s7], [sflag:s22] =	dma.local [hbm:s5], s20  }
0x9e: {  	_ =	swait.ge [sflag:s22], s20  }
0x9f: {  	s4 =	ssub.s32 $0x0, s20;
	[sflag:s22] =	ssyncset.done $0x0  }
0xa0: {  	[sflag:s22] =	ssyncadd.s32 s4;
	_ =	sdelay $0x1  }
0xa1: {  	s23 =	simm.s32 $0x1B8B  }
0xa2: {  	_ =	swait.ge [sflag:s23], $0x1  }
0xa3: {  	[sflag:s23] =	ssyncset.done $0x0  }
0xa4: {  	s25 =	simm.s32 $0x1B8E;
	s24 =	sld [smem:$0x3FFE];
	[sflag:s23] =	ssyncadd.s32 $0xFFFFFFFF  }
0xa5: {  	s26 =	simm.s32 $execute0_lowered;
	[smem:$0x3FD2] =	sst s25  }
0xa6: {  	s5 =	sshll.u32 s26, $0x1;
	_ =	strace $0x80000046;
	[dreg:$0x1] =	wrdreg $0xFFFFFFFF  }
0xa7: {  	s28 =	simm.s32 $_size_execute0_lowered;
	s3 =	sadd.s32 s3, s5;
	[dreg:$0x0] =	wrdreg $0x0  }
0xa8: {  	s5 =	sshll.u32 s28, $0x1;
	[dreg:$0x2] =	wrdreg s3  }
0xa9: {  	[dreg:$0x3] =	wrdreg s5  }
0xaa: {  	[dreg:$0x4] =	wrdreg $0xC0  }
0xab: {  	_ =	task [dreg:s7], $0x5FFFF  }
0xac: {  	[dreg:$0x1] =	wrdreg $0xFFFFFFFF  }
0xad: {  	[dreg:$0x0] =	wrdreg $0x60  }
0xae: {  	[dreg:$0x2] =	wrdreg s2  }
0xaf: {  	[dreg:$0x3] =	wrdreg s24  }
0xb0: {  	[dreg:$0x4] =	wrdreg $0xAA000  }
0xb1: {  	[dreg:$0x5] =	wrdreg $0x9  }
0xb2: {  	_ =	task.clear_ibuf [dreg:s7], $0x6FFFF;
	_ =	strace $0x90000046  }
0xb3: {  	s29 =	simm.s32 $0x9;
	_ =	strace $0x80000048  }
0xb4: {  	_ =	swait.ge [sflag:s29], $0x1  }
0xb5: {  	[sflag:s29] =	ssyncadd.s32 $0xFFFFFFFF  }
0xb6: {  	_ =	strace $0x90000048  }
0xb7: {  	_ =	sfence  }
0xb8: {  	s30 =	sld [smem:$0x0];
	_ =	sdelay $0x2  }
0xb9: {  	s31 =	sshll.u32 s1, $0xD;
	s1 =	sshrl.u32 s1, $0x2  }
0xba: {  	s3 =	sand.u32 $0x4000, s31;
	s1 =	sadd.s32 s1, s30  }
0xbb: {  	s0 =	sor.u32 s3, s0;
	s1 =	sshll.u32 s1, $0x11  }
0xbc: {  	s0 =	sor.u32 s1, s0  }
0xbd: {  	s0 =	sadd.s32 $0x8F2B, s0  }
0xbe: {  	[sflag:s0] =	ssyncadd.remote.s32 $0x1  }
0xbf: {  	_ =	sfence.sel $0xFFFF  }
0xc0: {  	[dreg:$0x0] =	wrdreg $0xFFFFFFFF;
	(pc) =	sbr.abs _section_cstart, $3  }
0xc1: {  	[dreg:$0x1] =	wrdreg $0xFFFFFFFF  }
0xc2: {  	_ =	task.clear_ibuf [dreg:s7], $0x2FFFF;
	_ =	strace $0x9FFFFFFF  }
0xc3: {  	(tm) =	ssettm $0x7FFFFFFF  }
tec
execute0_lowered:
.L_overlay_start_1:
0x0: {  	(tag) =	ssettag $0x1  }
0x1: {  	s2 =	rddreg [dreg:$0x0]  }
0x2: {  	s6 =	rddreg [dreg:$0x1]  }
0x3: {  	s0 =	srdreg.scid;
	s3 =	rddreg [dreg:$0x2]  }
0x4: {  	s1 =	stileid.u32;
	s4 =	simm.s32 $0x0;
	s13 =	simm.s32 $0x2800  }
0x5: {  	s14 =	simm.s32 $0x2A00;
	s15 =	simm.s32 $0x2900;
	s16 =	simm.s32 $0x6A00  }
0x6: {  	s17 =	simm.s32 $0x1;
	s18 =	simm.s32 $0x2880;
	s19 =	simm.s32 $0x2  }
0x7: {  	s20 =	simm.s32 $0x2980;
	s21 =	simm.s32 $0x0;
	s7 =	sand.u32 $0x1, s0  }
0x8: {  	s0 =	rddreg [dreg:$0x3];
	s5 =	sshll.u32 s1, $0x1;
	s9 =	smul.u32 $0x14000, s1  }
0x9: {  	[smem:$0x7FF] =	sst s4;
	s10 =	smul.u32 $0x50000, s1;
	s11 =	sshll.u32 s1, $0x6  }
0xa: {  	s8 =	smul.u32 $0x140000, s7;
	s5 =	sor.u32 s7, s5;
	s31 =	ssub.s32 $0x2, s7  }
0xb: {  	_ =	strace $0x80000047;
	s5 =	smul.u32 $0x500, s5;
	s7 =	sshrl.u32 s31, $0x1  }
0xc: {  	s10 =	sshrl.u32 s10, $0x2;
	s8 =	sadd.s32 s9, s8;
	s12 =	ssub.s32 s31, s7  }
0xd: {  	s10 =	sadd.s32 s10, s3;
	s30 =	sadd.s32 s5, s6;
	s8 =	sshrl.u32 s8, $0x3  }
0xe: {  	s5 =	sadd.s32 $0xCE00, s6;
	s9 =	smax.u32 s12, $0x1;
	s10 =	sshrl.u32 s10, $0x3  }
0xf: {  	s12 =	simm.s32 $0x80;
	s8 =	sadd.s32 s8, s6;
	s6 =	sor.u32 $0x1C03, s11  }
0x10: {  	s7 =	sadd.s32 $0x2E00, s30;
	s11 =	simm.s32 $0x3;
	s8 =	sadd.s32 $0xF600, s8  }
.LBB2_1:
0x11: {  	[spmem:s10], [sflag:s6] =	dma.local [hbm:s5], $0x2800  }
0x12: {  	_ =	swait.ge [sflag:s11], $0x2800  }
0x13: {  	[sflag:s11] =	ssyncset.done $0x0  }
0x14: {  	[sflag:s11] =	ssyncadd.s32 $0xFFFFD800  }
0x15: {  	[tilespmem:s4], [sflag:$0x3] =	stream.linear.gather [hbm4b:s7+s4], $0x2780, $0x38;
	[tilespmem:$0x1EA00] =	vst v63  }
0x16: {  	_ =	swait.ge [sflag:s11], $0x2780  }
0x17: {  	[sflag:s11] =	ssyncset.done $0x0  }
0x18: {  	[sflag:s11] =	ssyncadd.s32 $0xFFFFD880  }
0x19: {  	[bflag:$0x0] =	sbarrier.arrive $0xFFFF  }
0x1a: {  	v0 =	vld [tilespmem:$0x0];
	_ =	sdelay $0x1  }
0x1b: {  	v1 =	vld [tilespmem:$0x10];
	_ =	sdelay $0x1  }
0x1c: {  	v2 =	vld [tilespmem:$0x20]  }
0x1d: {  	v3 =	vand.u32 $0xFFFF, v0  }
0x1e: {  	v0 =	vshrl.u32 v0, $0x10;
	[tilespmem:$0x2800] =	vst v3;
	v3 =	vld [tilespmem:$0x30]  }
0x1f: {  	[tilespmem:$0x2880] =	vst v0;
	v0 =	vand.u32 $0xFFFF, v1  }
0x20: {  	[tilespmem:$0x2810] =	vst v0;
	v0 =	vshrl.u32 v1, $0x10;
	v1 =	vld [tilespmem:$0x40]  }
0x21: {  	[tilespmem:$0x2890] =	vst v0;
	v0 =	vand.u32 $0xFFFF, v2  }
0x22: {  	[tilespmem:$0x2820] =	vst v0;
	v0 =	vshrl.u32 v2, $0x10;
	v2 =	vld [tilespmem:$0x50]  }
0x23: {  	[tilespmem:$0x28A0] =	vst v0;
	v0 =	vand.u32 $0xFFFF, v3  }
0x24: {  	[tilespmem:$0x2830] =	vst v0;
	v0 =	vshrl.u32 v3, $0x10;
	v3 =	vld [tilespmem:$0x60]  }
0x25: {  	[tilespmem:$0x28B0] =	vst v0;
	v0 =	vand.u32 $0xFFFF, v1  }
0x26: {  	[tilespmem:$0x2840] =	vst v0;
	v0 =	vshrl.u32 v1, $0x10;
	v1 =	vld [tilespmem:$0x70]  }
0x27: {  	[tilespmem:$0x28C0] =	vst v0;
	v0 =	vand.u32 $0xFFFF, v2  }
0x28: {  	[tilespmem:$0x2850] =	vst v0;
	v0 =	vshrl.u32 v2, $0x10  }
0x29: {  	[tilespmem:$0x28D0] =	vst v0;
	v0 =	vand.u32 $0xFFFF, v3  }
0x2a: {  	[tilespmem:$0x2860] =	vst v0;
	v0 =	vshrl.u32 v3, $0x10  }
0x2b: {  	[tilespmem:$0x28E0] =	vst v0;
	v0 =	vand.u32 $0xFFFF, v1  }
0x2c: {  	[tilespmem:$0x2870] =	vst v0;
	v0 =	vshrl.u32 v1, $0x10  }
0x2d: {  	s22 =	simm.s32 $0x0;
	[tilespmem:$0x28F0] =	vst v0  }
0x2e: {  	[tilespmem:s14], [sflag:$0x1] =	stream.indirect.gather [hbm4b:s2+s12], $0x80, s13, s12, $0xb8;
	[tilespmem:$0x1EA00] =	vst v63  }
0x2f: {  	v0 =	vld [tilespmem:s22+$0x80];
	_ =	sdelay $0x4  }
0x30: {  	v1 =	vand.u32 $0xFFFF, v0  }
0x31: {  	v0 =	vshrl.u32 v0, $0x10;
	[tilespmem:$0x2900] =	vst v1  }
0x32: {  	[tilespmem:$0x2980] =	vst v0  }
0x33: {  	v0 =	vld [tilespmem:s22+$0x90];
	_ =	sdelay $0x4  }
0x34: {  	v1 =	vand.u32 $0xFFFF, v0  }
0x35: {  	v0 =	vshrl.u32 v0, $0x10;
	[tilespmem:$0x2910] =	vst v1  }
0x36: {  	[tilespmem:$0x2990] =	vst v0  }
0x37: {  	v0 =	vld [tilespmem:s22+$0xA0];
	_ =	sdelay $0x4  }
0x38: {  	v1 =	vand.u32 $0xFFFF, v0  }
0x39: {  	v0 =	vshrl.u32 v0, $0x10;
	[tilespmem:$0x2920] =	vst v1  }
0x3a: {  	[tilespmem:$0x29A0] =	vst v0  }
0x3b: {  	v0 =	vld [tilespmem:s22+$0xB0];
	_ =	sdelay $0x4  }
0x3c: {  	v1 =	vand.u32 $0xFFFF, v0  }
0x3d: {  	v0 =	vshrl.u32 v0, $0x10;
	[tilespmem:$0x2930] =	vst v1  }
0x3e: {  	[tilespmem:$0x29B0] =	vst v0  }
0x3f: {  	v0 =	vld [tilespmem:s22+$0xC0];
	_ =	sdelay $0x4  }
0x40: {  	v1 =	vand.u32 $0xFFFF, v0  }
0x41: {  	v0 =	vshrl.u32 v0, $0x10;
	[tilespmem:$0x2940] =	vst v1  }
0x42: {  	[tilespmem:$0x29C0] =	vst v0  }
0x43: {  	v0 =	vld [tilespmem:s22+$0xD0];
	_ =	sdelay $0x4  }
0x44: {  	v1 =	vand.u32 $0xFFFF, v0  }
0x45: {  	v0 =	vshrl.u32 v0, $0x10;
	[tilespmem:$0x2950] =	vst v1  }
0x46: {  	[tilespmem:$0x29D0] =	vst v0  }
0x47: {  	v0 =	vld [tilespmem:s22+$0xE0];
	_ =	sdelay $0x4  }
0x48: {  	v1 =	vand.u32 $0xFFFF, v0  }
0x49: {  	v0 =	vshrl.u32 v0, $0x10;
	[tilespmem:$0x2960] =	vst v1  }
0x4a: {  	[tilespmem:$0x29E0] =	vst v0  }
0x4b: {  	v0 =	vld [tilespmem:s22+$0xF0];
	_ =	sdelay $0x4  }
0x4c: {  	v1 =	vand.u32 $0xFFFF, v0  }
0x4d: {  	v0 =	vshrl.u32 v0, $0x10;
	[tilespmem:$0x2970] =	vst v1  }
0x4e: {  	[tilespmem:$0x29F0] =	vst v0  }
0x4f: {  	[tilespmem:s16], [sflag:$0x2] =	stream.indirect.gather [hbm4b:s2+s12], $0x80, s15, s12, $0xb8;
	[tilespmem:$0x1EA00] =	vst v63  }
0x50: {  	_ =	swait.ge [sflag:s17], $0x4000  }
0x51: {  	[sflag:s17] =	ssyncset.done $0x0  }
0x52: {  	[sflag:s17] =	ssyncadd.s32 $0xFFFFC000  }
0x53: {  	[spmem:s3] =	stream.indirect.scatter.add.f32 [tilespmem:s14], [sflag:$0x3], $0x80, s18, s12, $0xb8;
	[tilespmem:$0x1EA00] =	vst v63  }
0x54: {  	_ =	swait.ge [sflag:s11], $0x4000  }
0x55: {  	[sflag:s11] =	ssyncset.done $0x0  }
0x56: {  	[sflag:s11] =	ssyncadd.s32 $0xFFFFC000  }
0x57: {  	v0 =	vld [tilespmem:s22+$0x100];
	_ =	sdelay $0x4  }
0x58: {  	v1 =	vand.u32 $0xFFFF, v0  }
0x59: {  	v0 =	vshrl.u32 v0, $0x10;
	[tilespmem:$0x2800] =	vst v1  }
0x5a: {  	[tilespmem:$0x2880] =	vst v0  }
0x5b: {  	v0 =	vld [tilespmem:s22+$0x110];
	_ =	sdelay $0x4  }
0x5c: {  	v1 =	vand.u32 $0xFFFF, v0  }
0x5d: {  	v0 =	vshrl.u32 v0, $0x10;
	[tilespmem:$0x2810] =	vst v1  }
0x5e: {  	[tilespmem:$0x2890] =	vst v0  }
0x5f: {  	v0 =	vld [tilespmem:s22+$0x120];
	_ =	sdelay $0x4  }
0x60: {  	v1 =	vand.u32 $0xFFFF, v0  }
0x61: {  	v0 =	vshrl.u32 v0, $0x10;
	[tilespmem:$0x2820] =	vst v1  }
0x62: {  	[tilespmem:$0x28A0] =	vst v0  }
0x63: {  	v0 =	vld [tilespmem:s22+$0x130];
	_ =	sdelay $0x4  }
0x64: {  	v1 =	vand.u32 $0xFFFF, v0  }
0x65: {  	v0 =	vshrl.u32 v0, $0x10;
	[tilespmem:$0x2830] =	vst v1  }
0x66: {  	[tilespmem:$0x28B0] =	vst v0  }
0x67: {  	v0 =	vld [tilespmem:s22+$0x140];
	_ =	sdelay $0x4  }
0x68: {  	v1 =	vand.u32 $0xFFFF, v0  }
0x69: {  	v0 =	vshrl.u32 v0, $0x10;
	[tilespmem:$0x2840] =	vst v1  }
0x6a: {  	[tilespmem:$0x28C0] =	vst v0  }
0x6b: {  	v0 =	vld [tilespmem:s22+$0x150];
	_ =	sdelay $0x4  }
0x6c: {  	v1 =	vand.u32 $0xFFFF, v0  }
0x6d: {  	v0 =	vshrl.u32 v0, $0x10;
	[tilespmem:$0x2850] =	vst v1  }
0x6e: {  	[tilespmem:$0x28D0] =	vst v0  }
0x6f: {  	v0 =	vld [tilespmem:s22+$0x160];
	_ =	sdelay $0x4  }
0x70: {  	v1 =	vand.u32 $0xFFFF, v0  }
0x71: {  	s23 =	simm.s32 $0x400;
	v0 =	vshrl.u32 v0, $0x10;
	[tilespmem:$0x2860] =	vst v1  }
.LBB2_2:
0x72: {  	p0 =	sne.s32 s23, $0x9800;
	[tilespmem:$0x28E0] =	vst v0;
	s24 =	smov.u32 s23;
	s23 =	sadd.s32 $0x400, s23  }
0x73: {  	v0 =	vld [tilespmem:s22+$0x170];
	_ =	sdelay $0x4  }
0x74: {  	v1 =	vand.u32 $0xFFFF, v0;
	v0 =	vshrl.u32 v0, $0x10  }
0x75: {  	[tilespmem:$0x2870] =	vst v1  }
0x76: {  	[tilespmem:$0x28F0] =	vst v0  }
0x77: {  	[tilespmem:s14], [sflag:$0x1] =	stream.indirect.gather [hbm4b:s2+s12], $0x80, s13, s12, $0xb8;
	[tilespmem:$0x1EA00] =	vst v63  }
0x78: {  	_ =	swait.ge [sflag:s19], $0x4000  }
0x79: {  	[sflag:s19] =	ssyncset.done $0x0  }
0x7a: {  	[sflag:s19] =	ssyncadd.s32 $0xFFFFC000  }
0x7b: {  	[spmem:s3] =	stream.indirect.scatter.add.f32 [tilespmem:s16], [sflag:$0x3], $0x80, s20, s12, $0xb8;
	[tilespmem:$0x1EA00] =	vst v63  }
0x7c: {  	_ =	swait.ge [sflag:s11], $0x4000  }
0x7d: {  	[sflag:s11] =	ssyncset.done $0x0  }
0x7e: {  	s22 =	sshra.s32 s24, $0x2;
	[sflag:s11] =	ssyncadd.s32 $0xFFFFC000  }
0x7f: {  	v0 =	vld [tilespmem:s22+$0x80];
	_ =	sdelay $0x4  }
0x80: {  	v1 =	vand.u32 $0xFFFF, v0;
	v0 =	vshrl.u32 v0, $0x10  }
0x81: {  	[tilespmem:$0x2900] =	vst v1  }
0x82: {  	[tilespmem:$0x2980] =	vst v0  }
0x83: {  	v0 =	vld [tilespmem:s22+$0x90];
	_ =	sdelay $0x4  }
0x84: {  	v1 =	vand.u32 $0xFFFF, v0;
	v0 =	vshrl.u32 v0, $0x10  }
0x85: {  	[tilespmem:$0x2910] =	vst v1  }
0x86: {  	[tilespmem:$0x2990] =	vst v0  }
0x87: {  	v0 =	vld [tilespmem:s22+$0xA0];
	_ =	sdelay $0x4  }
0x88: {  	v1 =	vand.u32 $0xFFFF, v0;
	v0 =	vshrl.u32 v0, $0x10  }
0x89: {  	[tilespmem:$0x2920] =	vst v1  }
0x8a: {  	[tilespmem:$0x29A0] =	vst v0  }
0x8b: {  	v0 =	vld [tilespmem:s22+$0xB0];
	_ =	sdelay $0x4  }
0x8c: {  	v1 =	vand.u32 $0xFFFF, v0;
	v0 =	vshrl.u32 v0, $0x10  }
0x8d: {  	[tilespmem:$0x2930] =	vst v1  }
0x8e: {  	[tilespmem:$0x29B0] =	vst v0  }
0x8f: {  	v0 =	vld [tilespmem:s22+$0xC0];
	_ =	sdelay $0x4  }
0x90: {  	v1 =	vand.u32 $0xFFFF, v0;
	v0 =	vshrl.u32 v0, $0x10  }
0x91: {  	[tilespmem:$0x2940] =	vst v1  }
0x92: {  	[tilespmem:$0x29C0] =	vst v0  }
0x93: {  	v0 =	vld [tilespmem:s22+$0xD0];
	_ =	sdelay $0x4  }
0x94: {  	v1 =	vand.u32 $0xFFFF, v0;
	v0 =	vshrl.u32 v0, $0x10  }
0x95: {  	[tilespmem:$0x2950] =	vst v1  }
0x96: {  	[tilespmem:$0x29D0] =	vst v0  }
0x97: {  	v0 =	vld [tilespmem:s22+$0xE0];
	_ =	sdelay $0x4  }
0x98: {  	v1 =	vand.u32 $0xFFFF, v0;
	v0 =	vshrl.u32 v0, $0x10  }
0x99: {  	[tilespmem:$0x2960] =	vst v1  }
0x9a: {  	[tilespmem:$0x29E0] =	vst v0  }
0x9b: {  	v0 =	vld [tilespmem:s22+$0xF0];
	_ =	sdelay $0x4  }
0x9c: {  	v1 =	vand.u32 $0xFFFF, v0;
	v0 =	vshrl.u32 v0, $0x10  }
0x9d: {  	[tilespmem:$0x2970] =	vst v1  }
0x9e: {  	[tilespmem:$0x29F0] =	vst v0  }
0x9f: {  	[tilespmem:s16], [sflag:$0x2] =	stream.indirect.gather [hbm4b:s2+s12], $0x80, s15, s12, $0xb8;
	[tilespmem:$0x1EA00] =	vst v63  }
0xa0: {  	_ =	swait.ge [sflag:s17], $0x4000  }
0xa1: {  	[sflag:s17] =	ssyncset.done $0x0  }
0xa2: {  	[sflag:s17] =	ssyncadd.s32 $0xFFFFC000  }
0xa3: {  	[spmem:s3] =	stream.indirect.scatter.add.f32 [tilespmem:s14], [sflag:$0x3], $0x80, s18, s12, $0xb8;
	[tilespmem:$0x1EA00] =	vst v63  }
0xa4: {  	_ =	swait.ge [sflag:s11], $0x4000  }
0xa5: {  	[sflag:s11] =	ssyncset.done $0x0  }
0xa6: {  	[sflag:s11] =	ssyncadd.s32 $0xFFFFC000  }
0xa7: {  	v0 =	vld [tilespmem:s22+$0x100];
	_ =	sdelay $0x4  }
0xa8: {  	v1 =	vand.u32 $0xFFFF, v0;
	v0 =	vshrl.u32 v0, $0x10  }
0xa9: {  	[tilespmem:$0x2800] =	vst v1  }
0xaa: {  	[tilespmem:$0x2880] =	vst v0  }
0xab: {  	v0 =	vld [tilespmem:s22+$0x110];
	_ =	sdelay $0x4  }
0xac: {  	v1 =	vand.u32 $0xFFFF, v0;
	v0 =	vshrl.u32 v0, $0x10  }
0xad: {  	[tilespmem:$0x2810] =	vst v1  }
0xae: {  	[tilespmem:$0x2890] =	vst v0  }
0xaf: {  	v0 =	vld [tilespmem:s22+$0x120];
	_ =	sdelay $0x4  }
0xb0: {  	v1 =	vand.u32 $0xFFFF, v0;
	v0 =	vshrl.u32 v0, $0x10  }
0xb1: {  	[tilespmem:$0x2820] =	vst v1  }
0xb2: {  	[tilespmem:$0x28A0] =	vst v0  }
0xb3: {  	v0 =	vld [tilespmem:s22+$0x130];
	_ =	sdelay $0x4  }
0xb4: {  	v1 =	vand.u32 $0xFFFF, v0;
	v0 =	vshrl.u32 v0, $0x10  }
0xb5: {  	[tilespmem:$0x2830] =	vst v1  }
0xb6: {  	[tilespmem:$0x28B0] =	vst v0  }
0xb7: {  	v0 =	vld [tilespmem:s22+$0x140];
	_ =	sdelay $0x4  }
0xb8: {  	v1 =	vand.u32 $0xFFFF, v0;
	v0 =	vshrl.u32 v0, $0x10  }
0xb9: {  	[tilespmem:$0x2840] =	vst v1  }
0xba: {  	[tilespmem:$0x28C0] =	vst v0  }
0xbb: {  	v0 =	vld [tilespmem:s22+$0x150];
	_ =	sdelay $0x4  }
0xbc: {  	v1 =	vand.u32 $0xFFFF, v0;
	v0 =	vshrl.u32 v0, $0x10  }
0xbd: {  	[tilespmem:$0x2850] =	vst v1  }
0xbe: {  	[tilespmem:$0x28D0] =	vst v0  }
0xbf: {  	v0 =	vld [tilespmem:s22+$0x160];
	_ =	sdelay $0x1  }
.Ltmp0:
0xc0: {  	(pc) =	sbr.rel @p0 .LBB2_2-.Ltmp0, $3  }
0xc1: {  	_ =	sdelay $0x1  }
0xc2: {  	v1 =	vand.u32 $0xFFFF, v0;
	v0 =	vshrl.u32 v0, $0x10  }
0xc3: {  	[tilespmem:$0x2860] =	vst v1  }
0xc4: {  	[tilespmem:$0x28E0] =	vst v0  }
0xc5: {  	v0 =	vld [tilespmem:s22+$0x170];
	_ =	sdelay $0x4  }
0xc6: {  	v1 =	vand.u32 $0xFFFF, v0  }
0xc7: {  	v0 =	vshrl.u32 v0, $0x10;
	[tilespmem:$0x2870] =	vst v1  }
0xc8: {  	[tilespmem:$0x28F0] =	vst v0  }
0xc9: {  	[tilespmem:s14], [sflag:$0x1] =	stream.indirect.gather [hbm4b:s2+s12], $0x80, s13, s12, $0xb8;
	[tilespmem:$0x1EA00] =	vst v63  }
0xca: {  	_ =	swait.ge [sflag:s19], $0x4000  }
0xcb: {  	[sflag:s19] =	ssyncset.done $0x0  }
0xcc: {  	[sflag:s19] =	ssyncadd.s32 $0xFFFFC000  }
0xcd: {  	[spmem:s3] =	stream.indirect.scatter.add.f32 [tilespmem:s16], [sflag:$0x3], $0x80, s20, s12, $0xb8;
	[tilespmem:$0x1EA00] =	vst v63  }
0xce: {  	_ =	swait.ge [sflag:s11], $0x4000  }
0xcf: {  	[sflag:s11] =	ssyncset.done $0x0  }
0xd0: {  	[sflag:s11] =	ssyncadd.s32 $0xFFFFC000  }
0xd1: {  	_ =	swait.ge [sflag:s17], $0x4000  }
0xd2: {  	[sflag:s17] =	ssyncset.done $0x0  }
0xd3: {  	[sflag:s17] =	ssyncadd.s32 $0xFFFFC000  }
0xd4: {  	[spmem:s3] =	stream.indirect.scatter.add.f32 [tilespmem:s14], [sflag:$0x3], $0x80, s18, s12, $0xb8;
	[tilespmem:$0x1EA00] =	vst v63  }
0xd5: {  	_ =	swait.ge [sflag:s11], $0x4000  }
0xd6: {  	s21 =	sadd.s32 $0x1, s21;
	[sflag:s11] =	ssyncset.done $0x0  }
0xd7: {  	p0 =	sne.s32 s21, s9;
	[sflag:s11] =	ssyncadd.s32 $0xFFFFC000  }
.Ltmp1:
0xd8: {  	[bflag:$0x0] =	sbarrier.arrive $0xFFFF;
	(pc) =	sbr.rel @p0 .LBB2_1-.Ltmp1, $4  }
0xd9: {  	[hbm:s8], [sflag:s6] =	dma.local [spmem:s10], $0x2800  }
0xda: {  	_ =	swait.ge [sflag:s11], $0x2800  }
0xdb: {  	[sflag:s11] =	ssyncset.done $0x0  }
0xdc: {  	[sflag:s11] =	ssyncadd.s32 $0xFFFFD800  }
0xdd: {  	_ =	sfence.sel $0x180000  }
0xde: {  	[bflag:$0x0] =	sbarrier.arrive $0xFFFF  }
0xdf: {  	p0 =	sne.s32 s1, $0x0;
	_ =	strace $0x90000047  }
0xe0: {  	s0 =	sadd.s32 @!p0 $0x100000, s0;
	[bflag:$0x2] =	sbarrier.arrive $0xFFFF  }
0xe1: {  	[sflag:s0] =	ssyncadd.tile.s32 @!p0 $0x1;
	_ =	shalt  }
.Lfunc_end2:
_tile_overlayer_lowered:
.L_overlay_start_2:
0xe2: {  	(tag) =	ssettag $0x2  }
0xe3: {  	s0 =	rddreg [dreg:$0x0];
	s2 =	stileid.u32  }
0xe4: {  	s1 =	rddreg [dreg:$0x1];
	p0 =	sne.s32 s2, $0x0  }
0xe5: {  	s3 =	rddreg [dreg:$0x2];
	[bflag:$0x3] =	sbarrier.arrive $0xFFFF;
	s2 =	simm.s32 @!p0 $0x1C03  }
0xe6: {  	[timem:s3], [sflag:s2] =	dma.local @!p0 [hbm:s0], s1  }
0xe7: {  	s0 =	simm.s32 @!p0 $0x3  }
0xe8: {  	_ =	swait.ge @!p0 [sflag:s0], s1  }
0xe9: {  	s1 =	ssub.s32 @!p0 $0x0, s1;
	[sflag:s0] =	ssyncset.done @!p0 $0x0  }
0xea: {  	[sflag:s0] =	ssyncadd.s32 @!p0 s1  }
0xeb: {  	[bflag:$0x3] =	sbarrier.arrive $0xFFFF  }
0xec: {  	_ =	shalt  }

// kernel: kernel.9.cloned.1.call-start
scs
__scs_entry_jumppad:
0x0: {  	(pc) =	sbr.rel $0x88, $3  }
0x1: {  	(tag) =	ssettag $0x0;
	lr =	simm.s32 $0x1  }
0x2: {  	[smem:$0x3F90] =	sst lr;
	_ =	strace $0xD0000000  }
0x3: {  	_ = 	snop  }
0x4: {  	_ = 	snop  }
0x5: {  	_ = 	snop  }
0x6: {  	_ = 	snop  }
0x7: {  	_ = 	snop  }
__scs_overlays_trampoline_lowered:
0x8: {  	[smem:$0x3F9F] =	sst s0  }
0x9: {  	[smem:$0x3FA0] =	sst s1  }
0xa: {  	[smem:$0x3FA1] =	sst s2  }
0xb: {  	[smem:$0x3FA2] =	sst s3  }
0xc: {  	[smem:$0x3FA3] =	sst s4  }
0xd: {  	[smem:$0x3FA4] =	sst s5  }
0xe: {  	[smem:$0x3FA5] =	sst s6  }
0xf: {  	[smem:$0x3FA6] =	sst s7  }
0x10: {  	[smem:$0x3FA7] =	sst s8  }
0x11: {  	[smem:$0x3FA8] =	sst s9;
	s0 =	simm.s32 @!p0 $0x0  }
0x12: {  	s1 =	sld [smem:$0x3F8E];
	s0 =	simm.s32 @p0 $0x1  }
0x13: {  	[smem:$0x3FA9] =	sst s0;
	s0 =	simm.s32 @!p1 $0x0  }
0x14: {  	s2 =	sld [smem:$0x3F8D];
	s0 =	simm.s32 @p1 $0x1  }
0x15: {  	[smem:$0x3FAA] =	sst s0;
	s0 =	simm.s32 @!p2 $0x0  }
0x16: {  	s3 =	sld [smem:$0x3FDB];
	s0 =	simm.s32 @p2 $0x1  }
0x17: {  	s4 =	simm.s32 $0x1BF5;
	[smem:$0x3FAC] =	sst s0  }
0x18: {  	s0 =	sld [smem:$0x3F8F];
	_ =	swait.ge [sflag:s4], $0x0  }
0x19: {  	s7 =	sld [smem:$0x3F90]  }
0x1a: {  	s8 =	sadd.s32 $0xFFFFE003, lr  }
0x1b: {  	s9 =	sadd.s32 $0xFFFFFEF7, lr;
	s5 =	simm.s32 $0xFFFFFFFF;
	p2 =	slt.u32 s8, $0xFFFFF086  }
0x1c: {  	p1 =	slt.u32 s9, $0xF7A;
	s5 =	simm.s32 @!p2 $0x0  }
0x1d: {  	s5 =	simm.s32 @p1 $0x1;
	p0 =	seq.s32 s7, s2  }
0x1e: {  	s7 =	smul.u32 @!p0 $0xF7A, s2;
	p2 =	seq.s32 @!p0 s5, $0x0  }
0x1f: {  	s9 =	smul.u32 $0xF7A, s1;
	s8 =	simm.s32 @!p0 $0x1BF5;
	p2 =	por !p2, p0  }
0x20: {  	[sflag:s8] =	ssyncset.s32 @!p0 $0xFFFFF086;
	s6 =	sadd.s32 @!p0 s3, s7;
	s7 =	simm.s32 @!p0 $0x108  }
0x21: {  	s3 =	sadd.s32 s3, s9;
	s6 =	sadd.s32 @!p0 $0x88, s6;
	s7 =	simm.s32 @p2 $0x1082  }
0x22: {  	[simem:s7], [sflag:s8] =	dma.local @!p0 [hbm:s6], $0xF7A  }
0x23: {  	s9 =	sor.u32 $0xD0000000, s2;
	s6 =	simm.s32 $0x108;
	_ =	swait.ge @!p0 [sflag:s8], $0x0  }
0x24: {  	s3 =	sadd.s32 $0x88, s3;
	s6 =	simm.s32 @!p1 $0x1082;
	[sflag:s4] =	ssyncset.s32 $0xFFFFF086  }
0x25: {  	[simem:s6], [sflag:s4] =	dma.local [hbm:s3], $0xF7A  }
0x26: {  	[smem:$0x3F90] =	sst s1;
	(tag) =	ssettag s2;
	_ =	strace s9  }
0x27: {  	s1 =	sld [smem:$0x3FA0]  }
0x28: {  	s2 =	sld [smem:$0x3FA1]  }
0x29: {  	s4 =	sld [smem:$0x3FA3]  }
0x2a: {  	p0 =	seq.s32 s5, $0x0;
	s5 =	sld [smem:$0x3FA4]  }
0x2b: {  	s6 =	sld [smem:$0x3FA5]  }
0x2c: {  	s7 =	sld [smem:$0x3FA6]  }
0x2d: {  	s3 =	simm.s32 $0x108;
	s8 =	sld [smem:$0x3FA7]  }
0x2e: {  	s3 =	simm.s32 @!p0 $0x1082;
	s9 =	sld [smem:$0x3FA8]  }
0x2f: {  	lr =	sadd.s32 s0, s3;
	s0 =	sld [smem:$0x3F9F]  }
0x30: {  	s3 =	sld [smem:$0x3FA2]  }
0x31: {  	[smem:$0x3FAB] =	sst s10  }
0x32: {  	s10 =	sld [smem:$0x3FA9];
	_ =	sdelay $0x3  }
0x33: {  	p0 =	seq.s32 s10, $0x1;
	s10 =	sld [smem:$0x3FAB];
	_ =	sdelay $0x3  }
0x34: {  	[smem:$0x3FAB] =	sst s10  }
0x35: {  	s10 =	sld [smem:$0x3FAA];
	_ =	sdelay $0x3  }
0x36: {  	p1 =	seq.s32 s10, $0x1;
	s10 =	sld [smem:$0x3FAB];
	_ =	sdelay $0x3  }
0x37: {  	[smem:$0x3FAB] =	sst s10  }
0x38: {  	s10 =	sld [smem:$0x3FAC]  }
0x39: {  	_ = 	snop;
	(pc) =	sbr.ind lr, $3  }
0x3a: {  	_ = 	snop  }
0x3b: {  	_ = 	snop  }
0x3c: {  	p2 =	seq.s32 s10, $0x1;
	s10 =	sld [smem:$0x3FAB]  }
0x3d: {  	_ =	shalt  }
0x3e: {  	_ =	shalt  }
0x3f: {  	_ =	shalt  }
0x40: {  	_ =	shalt  }
0x41: {  	_ =	shalt  }
0x42: {  	_ =	shalt  }
0x43: {  	_ =	shalt  }
0x44: {  	_ =	shalt  }
0x45: {  	_ =	shalt  }
0x46: {  	_ =	shalt  }
0x47: {  	_ =	shalt  }
0x48: {  	_ =	shalt  }
0x49: {  	_ =	shalt  }
0x4a: {  	_ =	shalt  }
0x4b: {  	_ =	shalt  }
0x4c: {  	_ =	shalt  }
0x4d: {  	_ =	shalt  }
0x4e: {  	_ =	shalt  }
0x4f: {  	_ =	shalt  }
0x50: {  	_ =	shalt  }
0x51: {  	_ =	shalt  }
0x52: {  	_ =	shalt  }
0x53: {  	_ =	shalt  }
0x54: {  	_ =	shalt  }
0x55: {  	_ =	shalt  }
0x56: {  	_ =	shalt  }
0x57: {  	_ =	shalt  }
0x58: {  	_ =	shalt  }
0x59: {  	_ =	shalt  }
0x5a: {  	_ =	shalt  }
0x5b: {  	_ =	shalt  }
0x5c: {  	_ =	shalt  }
0x5d: {  	_ =	shalt  }
0x5e: {  	_ =	shalt  }
0x5f: {  	_ =	shalt  }
0x60: {  	_ =	shalt  }
0x61: {  	_ =	shalt  }
0x62: {  	_ =	shalt  }
0x63: {  	_ =	shalt  }
0x64: {  	_ =	shalt  }
0x65: {  	_ =	shalt  }
0x66: {  	_ =	shalt  }
0x67: {  	_ =	shalt  }
0x68: {  	_ =	shalt  }
0x69: {  	_ =	shalt  }
0x6a: {  	_ =	shalt  }
0x6b: {  	_ =	shalt  }
0x6c: {  	_ =	shalt  }
0x6d: {  	_ =	shalt  }
0x6e: {  	_ =	shalt  }
0x6f: {  	_ =	shalt  }
0x70: {  	_ =	shalt  }
0x71: {  	_ =	shalt  }
0x72: {  	_ =	shalt  }
0x73: {  	_ =	shalt  }
0x74: {  	_ =	shalt  }
0x75: {  	_ =	shalt  }
0x76: {  	_ =	shalt  }
0x77: {  	_ =	shalt  }
0x78: {  	_ =	shalt  }
0x79: {  	_ =	shalt  }
0x7a: {  	_ =	shalt  }
0x7b: {  	_ =	shalt  }
0x7c: {  	_ =	shalt  }
0x7d: {  	_ =	shalt  }
0x7e: {  	_ =	shalt  }
0x7f: {  	_ =	shalt  }
0x80: {  	_ =	shalt  }
0x81: {  	_ =	shalt  }
0x82: {  	_ =	shalt  }
0x83: {  	_ =	shalt  }
0x84: {  	_ =	shalt  }
0x85: {  	_ =	shalt  }
0x86: {  	_ =	shalt  }
0x87: {  	_ =	shalt  }
.Lfunc_end0:
.L_simem_size_0:
called_computation.1_lowered:
.L_overlay_start_0:
0x88: {  	s2 =	sld [smem:$0x3FD9]  }
0x89: {  	s3 =	sld [smem:$0x3FFE];
	_ =	sdelay $0x1  }
0x8a: {  	s1 =	srdreg.scid  }
0x8b: {  	s0 =	sand.u32 $0x1, s1  }
0x8c: {  	s16 =	sshll.u32 s0, $0xA;
	s2 =	sadd.s32 s3, s2  }
0x8d: {  	s2 =	sadd.s32 s2, s16  }
0x8e: {  	[smem:$0x3FB7] =	sst s2  }
0x8f: {  	_ = 	snop  }
0x90: {  	(tm) =	ssettm $0x1  }
0x91: {  	s17 =	sld [smem:$0x3FFB];
	_ =	sdelay $0x3  }
0x92: {  	_ =	strace s17  }
0x93: {  	s2 =	sld [smem:$0x3FFC];
	_ =	sdelay $0x3  }
0x94: {  	_ =	strace s2  }
0x95: {  	s2 =	sld [smem:$0x3FFD];
	_ =	sdelay $0x3  }
0x96: {  	_ =	strace s2  }
0x97: {  	_ =	strace $0x8FFFFFFF  }
0x98: {  	s18 =	sld [smem:$0x3FDB];
	_ =	sdelay $0x1  }
0x99: {  	s19 =	simm.s32 $_scs_section_size  }
0x9a: {  	s4 =	simm.s32 $_size__tile_overlayer_lowered;
	s5 =	simm.s32 $_tile_overlayer_lowered  }
0x9b: {  	s22 =	simm.s32 $0x1BFF;
	s21 =	sshll.u32 s5, $0x1;
	s2 =	sadd.s32 s19, s18  }
0x9c: {  	s6 =	simm.s32 $0x0;
	s20 =	sshll.u32 s4, $0x1;
	s4 =	sadd.s32 s21, s2  }
0x9d: {  	[timem:s6], [sflag:s22] =	dma.local [hbm:s4], s20  }
0x9e: {  	_ =	swait.ge [sflag:s22], s20  }
0x9f: {  	s3 =	ssub.s32 $0x0, s20;
	[sflag:s22] =	ssyncset.done $0x0  }
0xa0: {  	[sflag:s22] =	ssyncadd.s32 s3;
	_ =	sdelay $0x1  }
0xa1: {  	s23 =	simm.s32 $0x1B8B  }
0xa2: {  	_ =	swait.ge [sflag:s23], $0x1  }
0xa3: {  	[sflag:s23] =	ssyncset.done $0x0  }
0xa4: {  	s25 =	simm.s32 $0x1B8E;
	s24 =	sld [smem:$0x3FFE];
	[sflag:s23] =	ssyncadd.s32 $0xFFFFFFFF  }
0xa5: {  	s26 =	simm.s32 $execute0_lowered;
	[smem:$0x3FD2] =	sst s25  }
0xa6: {  	s4 =	sshll.u32 s26, $0x1;
	_ =	strace $0x80000049;
	[dreg:$0x1] =	wrdreg $0xFFFFFFFF  }
0xa7: {  	s28 =	simm.s32 $_size_execute0_lowered;
	s2 =	sadd.s32 s2, s4;
	[dreg:$0x0] =	wrdreg $0x0  }
0xa8: {  	s4 =	sshll.u32 s28, $0x1;
	[dreg:$0x2] =	wrdreg s2  }
0xa9: {  	[dreg:$0x3] =	wrdreg s4  }
0xaa: {  	[dreg:$0x4] =	wrdreg $0xC0  }
0xab: {  	_ =	task [dreg:s6], $0x5FFFF  }
0xac: {  	[dreg:$0x1] =	wrdreg $0xFFFFFFFF  }
0xad: {  	[dreg:$0x0] =	wrdreg $0x60  }
0xae: {  	[dreg:$0x2] =	wrdreg s24  }
0xaf: {  	[dreg:$0x3] =	wrdreg $0xAA000  }
0xb0: {  	[dreg:$0x4] =	wrdreg $0x9  }
0xb1: {  	_ =	task.clear_ibuf [dreg:s6], $0x5FFFF;
	_ =	strace $0x90000049  }
0xb2: {  	s29 =	simm.s32 $0x9;
	_ =	strace $0x8000004B  }
0xb3: {  	_ =	swait.ge [sflag:s29], $0x1  }
0xb4: {  	[sflag:s29] =	ssyncadd.s32 $0xFFFFFFFF  }
0xb5: {  	_ =	strace $0x9000004B  }
0xb6: {  	_ =	sfence  }
0xb7: {  	s30 =	sld [smem:$0x0];
	_ =	sdelay $0x2  }
0xb8: {  	s31 =	sshll.u32 s1, $0xD;
	s1 =	sshrl.u32 s1, $0x2  }
0xb9: {  	s3 =	sand.u32 $0x4000, s31;
	s1 =	sadd.s32 s1, s30  }
0xba: {  	s0 =	sor.u32 s3, s0;
	s1 =	sshll.u32 s1, $0x11  }
0xbb: {  	s0 =	sor.u32 s1, s0  }
0xbc: {  	s0 =	sadd.s32 $0x8F2B, s0  }
0xbd: {  	[sflag:s0] =	ssyncadd.remote.s32 $0x1  }
0xbe: {  	_ =	sfence.sel $0xFFFF  }
0xbf: {  	[dreg:$0x0] =	wrdreg $0xFFFFFFFF;
	(pc) =	sbr.abs _section_cstart, $3  }
0xc0: {  	[dreg:$0x1] =	wrdreg $0xFFFFFFFF  }
0xc1: {  	_ =	task.clear_ibuf [dreg:s6], $0x2FFFF;
	_ =	strace $0x9FFFFFFF  }
0xc2: {  	(tm) =	ssettm $0x7FFFFFFF  }
0xc3: {  	_ =	shalt  }
tec
execute0_lowered:
.L_overlay_start_1:
0x0: {  	(tag) =	ssettag $0x1  }
0x1: {  	s6 =	rddreg [dreg:$0x0];
	s0 =	srdreg.scid  }
0x2: {  	s2 =	rddreg [dreg:$0x1];
	s1 =	stileid.u32  }
0x3: {  	s3 =	simm.s32 $0x0;
	s13 =	simm.s32 $0x2800;
	s14 =	simm.s32 $0x2A00  }
0x4: {  	s15 =	simm.s32 $0x2900;
	s16 =	simm.s32 $0x6A00;
	s17 =	simm.s32 $0x1  }
0x5: {  	s18 =	simm.s32 $0x2880;
	s19 =	simm.s32 $0x2;
	s20 =	simm.s32 $0x2980  }
0x6: {  	s21 =	simm.s32 $0x0;
	s7 =	sand.u32 $0x1, s0;
	s8 =	smul.u32 $0x14000, s1  }
0x7: {  	s0 =	rddreg [dreg:$0x2];
	s4 =	sshll.u32 s1, $0x1;
	s10 =	smul.u32 $0x50000, s1  }
0x8: {  	[smem:$0x7FF] =	sst s3;
	s11 =	sshll.u32 s1, $0x6;
	s5 =	smul.u32 $0x140000, s7  }
0x9: {  	s4 =	sor.u32 s7, s4;
	_ =	strace $0x8000004A;
	s31 =	ssub.s32 $0x2, s7  }
0xa: {  	s9 =	smul.u32 $0x500, s4;
	s4 =	sadd.s32 $0xF600, s6;
	s7 =	sshrl.u32 s31, $0x1  }
0xb: {  	s10 =	sshrl.u32 s10, $0x2;
	s5 =	sadd.s32 s8, s5;
	s12 =	ssub.s32 s31, s7  }
0xc: {  	s10 =	sadd.s32 s10, s2;
	s29 =	sadd.s32 s9, s6;
	s30 =	sshrl.u32 s5, $0x3  }
0xd: {  	s5 =	sadd.s32 $0xCE00, s6;
	s10 =	sshrl.u32 s10, $0x3;
	s9 =	sadd.s32 s30, s6  }
0xe: {  	s6 =	sor.u32 $0x1C03, s11;
	s7 =	sadd.s32 $0x2E00, s29;
	s11 =	simm.s32 $0x3  }
0xf: {  	s8 =	sadd.s32 $0x36800, s9;
	s9 =	smax.u32 s12, $0x1;
	s12 =	simm.s32 $0x80  }
.LBB2_1:
0x10: {  	[spmem:s10], [sflag:s6] =	dma.local [hbm:s5], $0x2800  }
0x11: {  	_ =	swait.ge [sflag:s11], $0x2800  }
0x12: {  	[sflag:s11] =	ssyncset.done $0x0  }
0x13: {  	[sflag:s11] =	ssyncadd.s32 $0xFFFFD800  }
0x14: {  	[tilespmem:s3], [sflag:$0x3] =	stream.linear.gather [hbm4b:s7+s3], $0x2780, $0x38;
	[tilespmem:$0x1EA00] =	vst v63  }
0x15: {  	_ =	swait.ge [sflag:s11], $0x2780  }
0x16: {  	[sflag:s11] =	ssyncset.done $0x0  }
0x17: {  	[sflag:s11] =	ssyncadd.s32 $0xFFFFD880  }
0x18: {  	[bflag:$0x0] =	sbarrier.arrive $0xFFFF  }
0x19: {  	v0 =	vld [tilespmem:$0x0];
	_ =	sdelay $0x1  }
0x1a: {  	v1 =	vld [tilespmem:$0x10];
	_ =	sdelay $0x1  }
0x1b: {  	v2 =	vld [tilespmem:$0x20]  }
0x1c: {  	v3 =	vand.u32 $0xFFFF, v0  }
0x1d: {  	v0 =	vshrl.u32 v0, $0x10;
	[tilespmem:$0x2800] =	vst v3;
	v3 =	vld [tilespmem:$0x30]  }
0x1e: {  	[tilespmem:$0x2880] =	vst v0;
	v0 =	vand.u32 $0xFFFF, v1  }
0x1f: {  	[tilespmem:$0x2810] =	vst v0;
	v0 =	vshrl.u32 v1, $0x10;
	v1 =	vld [tilespmem:$0x40]  }
0x20: {  	[tilespmem:$0x2890] =	vst v0;
	v0 =	vand.u32 $0xFFFF, v2  }
0x21: {  	[tilespmem:$0x2820] =	vst v0;
	v0 =	vshrl.u32 v2, $0x10;
	v2 =	vld [tilespmem:$0x50]  }
0x22: {  	[tilespmem:$0x28A0] =	vst v0;
	v0 =	vand.u32 $0xFFFF, v3  }
0x23: {  	[tilespmem:$0x2830] =	vst v0;
	v0 =	vshrl.u32 v3, $0x10;
	v3 =	vld [tilespmem:$0x60]  }
0x24: {  	[tilespmem:$0x28B0] =	vst v0;
	v0 =	vand.u32 $0xFFFF, v1  }
0x25: {  	[tilespmem:$0x2840] =	vst v0;
	v0 =	vshrl.u32 v1, $0x10;
	v1 =	vld [tilespmem:$0x70]  }
0x26: {  	[tilespmem:$0x28C0] =	vst v0;
	v0 =	vand.u32 $0xFFFF, v2  }
0x27: {  	[tilespmem:$0x2850] =	vst v0;
	v0 =	vshrl.u32 v2, $0x10  }
0x28: {  	[tilespmem:$0x28D0] =	vst v0;
	v0 =	vand.u32 $0xFFFF, v3  }
0x29: {  	[tilespmem:$0x2860] =	vst v0;
	v0 =	vshrl.u32 v3, $0x10  }
0x2a: {  	[tilespmem:$0x28E0] =	vst v0;
	v0 =	vand.u32 $0xFFFF, v1  }
0x2b: {  	[tilespmem:$0x2870] =	vst v0;
	v0 =	vshrl.u32 v1, $0x10  }
0x2c: {  	s22 =	simm.s32 $0x0;
	[tilespmem:$0x28F0] =	vst v0  }
0x2d: {  	[tilespmem:s14], [sflag:$0x1] =	stream.indirect.gather [hbm4b:s4+s12], $0x80, s13, s12, $0xb8;
	[tilespmem:$0x1EA00] =	vst v63  }
0x2e: {  	v0 =	vld [tilespmem:s22+$0x80];
	_ =	sdelay $0x4  }
0x2f: {  	v1 =	vand.u32 $0xFFFF, v0  }
0x30: {  	v0 =	vshrl.u32 v0, $0x10;
	[tilespmem:$0x2900] =	vst v1  }
0x31: {  	[tilespmem:$0x2980] =	vst v0  }
0x32: {  	v0 =	vld [tilespmem:s22+$0x90];
	_ =	sdelay $0x4  }
0x33: {  	v1 =	vand.u32 $0xFFFF, v0  }
0x34: {  	v0 =	vshrl.u32 v0, $0x10;
	[tilespmem:$0x2910] =	vst v1  }
0x35: {  	[tilespmem:$0x2990] =	vst v0  }
0x36: {  	v0 =	vld [tilespmem:s22+$0xA0];
	_ =	sdelay $0x4  }
0x37: {  	v1 =	vand.u32 $0xFFFF, v0  }
0x38: {  	v0 =	vshrl.u32 v0, $0x10;
	[tilespmem:$0x2920] =	vst v1  }
0x39: {  	[tilespmem:$0x29A0] =	vst v0  }
0x3a: {  	v0 =	vld [tilespmem:s22+$0xB0];
	_ =	sdelay $0x4  }
0x3b: {  	v1 =	vand.u32 $0xFFFF, v0  }
0x3c: {  	v0 =	vshrl.u32 v0, $0x10;
	[tilespmem:$0x2930] =	vst v1  }
0x3d: {  	[tilespmem:$0x29B0] =	vst v0  }
0x3e: {  	v0 =	vld [tilespmem:s22+$0xC0];
	_ =	sdelay $0x4  }
0x3f: {  	v1 =	vand.u32 $0xFFFF, v0  }
0x40: {  	v0 =	vshrl.u32 v0, $0x10;
	[tilespmem:$0x2940] =	vst v1  }
0x41: {  	[tilespmem:$0x29C0] =	vst v0  }
0x42: {  	v0 =	vld [tilespmem:s22+$0xD0];
	_ =	sdelay $0x4  }
0x43: {  	v1 =	vand.u32 $0xFFFF, v0  }
0x44: {  	v0 =	vshrl.u32 v0, $0x10;
	[tilespmem:$0x2950] =	vst v1  }
0x45: {  	[tilespmem:$0x29D0] =	vst v0  }
0x46: {  	v0 =	vld [tilespmem:s22+$0xE0];
	_ =	sdelay $0x4  }
0x47: {  	v1 =	vand.u32 $0xFFFF, v0  }
0x48: {  	v0 =	vshrl.u32 v0, $0x10;
	[tilespmem:$0x2960] =	vst v1  }
0x49: {  	[tilespmem:$0x29E0] =	vst v0  }
0x4a: {  	v0 =	vld [tilespmem:s22+$0xF0];
	_ =	sdelay $0x4  }
0x4b: {  	v1 =	vand.u32 $0xFFFF, v0  }
0x4c: {  	v0 =	vshrl.u32 v0, $0x10;
	[tilespmem:$0x2970] =	vst v1  }
0x4d: {  	[tilespmem:$0x29F0] =	vst v0  }
0x4e: {  	[tilespmem:s16], [sflag:$0x2] =	stream.indirect.gather [hbm4b:s4+s12], $0x80, s15, s12, $0xb8;
	[tilespmem:$0x1EA00] =	vst v63  }
0x4f: {  	_ =	swait.ge [sflag:s17], $0x4000  }
0x50: {  	[sflag:s17] =	ssyncset.done $0x0  }
0x51: {  	[sflag:s17] =	ssyncadd.s32 $0xFFFFC000  }
0x52: {  	[spmem:s2] =	stream.indirect.scatter.add.f32 [tilespmem:s14], [sflag:$0x3], $0x80, s18, s12, $0xb8;
	[tilespmem:$0x1EA00] =	vst v63  }
0x53: {  	_ =	swait.ge [sflag:s11], $0x4000  }
0x54: {  	[sflag:s11] =	ssyncset.done $0x0  }
0x55: {  	[sflag:s11] =	ssyncadd.s32 $0xFFFFC000  }
0x56: {  	v0 =	vld [tilespmem:s22+$0x100];
	_ =	sdelay $0x4  }
0x57: {  	v1 =	vand.u32 $0xFFFF, v0  }
0x58: {  	v0 =	vshrl.u32 v0, $0x10;
	[tilespmem:$0x2800] =	vst v1  }
0x59: {  	[tilespmem:$0x2880] =	vst v0  }
0x5a: {  	v0 =	vld [tilespmem:s22+$0x110];
	_ =	sdelay $0x4  }
0x5b: {  	v1 =	vand.u32 $0xFFFF, v0  }
0x5c: {  	v0 =	vshrl.u32 v0, $0x10;
	[tilespmem:$0x2810] =	vst v1  }
0x5d: {  	[tilespmem:$0x2890] =	vst v0  }
0x5e: {  	v0 =	vld [tilespmem:s22+$0x120];
	_ =	sdelay $0x4  }
0x5f: {  	v1 =	vand.u32 $0xFFFF, v0  }
0x60: {  	v0 =	vshrl.u32 v0, $0x10;
	[tilespmem:$0x2820] =	vst v1  }
0x61: {  	[tilespmem:$0x28A0] =	vst v0  }
0x62: {  	v0 =	vld [tilespmem:s22+$0x130];
	_ =	sdelay $0x4  }
0x63: {  	v1 =	vand.u32 $0xFFFF, v0  }
0x64: {  	v0 =	vshrl.u32 v0, $0x10;
	[tilespmem:$0x2830] =	vst v1  }
0x65: {  	[tilespmem:$0x28B0] =	vst v0  }
0x66: {  	v0 =	vld [tilespmem:s22+$0x140];
	_ =	sdelay $0x4  }
0x67: {  	v1 =	vand.u32 $0xFFFF, v0  }
0x68: {  	v0 =	vshrl.u32 v0, $0x10;
	[tilespmem:$0x2840] =	vst v1  }
0x69: {  	[tilespmem:$0x28C0] =	vst v0  }
0x6a: {  	v0 =	vld [tilespmem:s22+$0x150];
	_ =	sdelay $0x4  }
0x6b: {  	v1 =	vand.u32 $0xFFFF, v0  }
0x6c: {  	v0 =	vshrl.u32 v0, $0x10;
	[tilespmem:$0x2850] =	vst v1  }
0x6d: {  	[tilespmem:$0x28D0] =	vst v0  }
0x6e: {  	v0 =	vld [tilespmem:s22+$0x160];
	_ =	sdelay $0x4  }
0x6f: {  	v1 =	vand.u32 $0xFFFF, v0  }
0x70: {  	s23 =	simm.s32 $0x400;
	v0 =	vshrl.u32 v0, $0x10;
	[tilespmem:$0x2860] =	vst v1  }
.LBB2_2:
0x71: {  	p0 =	sne.s32 s23, $0x9800;
	[tilespmem:$0x28E0] =	vst v0;
	s24 =	smov.u32 s23;
	s23 =	sadd.s32 $0x400, s23  }
0x72: {  	v0 =	vld [tilespmem:s22+$0x170];
	_ =	sdelay $0x4  }
0x73: {  	v1 =	vand.u32 $0xFFFF, v0;
	v0 =	vshrl.u32 v0, $0x10  }
0x74: {  	[tilespmem:$0x2870] =	vst v1  }
0x75: {  	[tilespmem:$0x28F0] =	vst v0  }
0x76: {  	[tilespmem:s14], [sflag:$0x1] =	stream.indirect.gather [hbm4b:s4+s12], $0x80, s13, s12, $0xb8;
	[tilespmem:$0x1EA00] =	vst v63  }
0x77: {  	_ =	swait.ge [sflag:s19], $0x4000  }
0x78: {  	[sflag:s19] =	ssyncset.done $0x0  }
0x79: {  	[sflag:s19] =	ssyncadd.s32 $0xFFFFC000  }
0x7a: {  	[spmem:s2] =	stream.indirect.scatter.add.f32 [tilespmem:s16], [sflag:$0x3], $0x80, s20, s12, $0xb8;
	[tilespmem:$0x1EA00] =	vst v63  }
0x7b: {  	_ =	swait.ge [sflag:s11], $0x4000  }
0x7c: {  	[sflag:s11] =	ssyncset.done $0x0  }
0x7d: {  	s22 =	sshra.s32 s24, $0x2;
	[sflag:s11] =	ssyncadd.s32 $0xFFFFC000  }
0x7e: {  	v0 =	vld [tilespmem:s22+$0x80];
	_ =	sdelay $0x4  }
0x7f: {  	v1 =	vand.u32 $0xFFFF, v0;
	v0 =	vshrl.u32 v0, $0x10  }
0x80: {  	[tilespmem:$0x2900] =	vst v1  }
0x81: {  	[tilespmem:$0x2980] =	vst v0  }
0x82: {  	v0 =	vld [tilespmem:s22+$0x90];
	_ =	sdelay $0x4  }
0x83: {  	v1 =	vand.u32 $0xFFFF, v0;
	v0 =	vshrl.u32 v0, $0x10  }
0x84: {  	[tilespmem:$0x2910] =	vst v1  }
0x85: {  	[tilespmem:$0x2990] =	vst v0  }
0x86: {  	v0 =	vld [tilespmem:s22+$0xA0];
	_ =	sdelay $0x4  }
0x87: {  	v1 =	vand.u32 $0xFFFF, v0;
	v0 =	vshrl.u32 v0, $0x10  }
0x88: {  	[tilespmem:$0x2920] =	vst v1  }
0x89: {  	[tilespmem:$0x29A0] =	vst v0  }
0x8a: {  	v0 =	vld [tilespmem:s22+$0xB0];
	_ =	sdelay $0x4  }
0x8b: {  	v1 =	vand.u32 $0xFFFF, v0;
	v0 =	vshrl.u32 v0, $0x10  }
0x8c: {  	[tilespmem:$0x2930] =	vst v1  }
0x8d: {  	[tilespmem:$0x29B0] =	vst v0  }
0x8e: {  	v0 =	vld [tilespmem:s22+$0xC0];
	_ =	sdelay $0x4  }
0x8f: {  	v1 =	vand.u32 $0xFFFF, v0;
	v0 =	vshrl.u32 v0, $0x10  }
0x90: {  	[tilespmem:$0x2940] =	vst v1  }
0x91: {  	[tilespmem:$0x29C0] =	vst v0  }
0x92: {  	v0 =	vld [tilespmem:s22+$0xD0];
	_ =	sdelay $0x4  }
0x93: {  	v1 =	vand.u32 $0xFFFF, v0;
	v0 =	vshrl.u32 v0, $0x10  }
0x94: {  	[tilespmem:$0x2950] =	vst v1  }
0x95: {  	[tilespmem:$0x29D0] =	vst v0  }
0x96: {  	v0 =	vld [tilespmem:s22+$0xE0];
	_ =	sdelay $0x4  }
0x97: {  	v1 =	vand.u32 $0xFFFF, v0;
	v0 =	vshrl.u32 v0, $0x10  }
0x98: {  	[tilespmem:$0x2960] =	vst v1  }
0x99: {  	[tilespmem:$0x29E0] =	vst v0  }
0x9a: {  	v0 =	vld [tilespmem:s22+$0xF0];
	_ =	sdelay $0x4  }
0x9b: {  	v1 =	vand.u32 $0xFFFF, v0;
	v0 =	vshrl.u32 v0, $0x10  }
0x9c: {  	[tilespmem:$0x2970] =	vst v1  }
0x9d: {  	[tilespmem:$0x29F0] =	vst v0  }
0x9e: {  	[tilespmem:s16], [sflag:$0x2] =	stream.indirect.gather [hbm4b:s4+s12], $0x80, s15, s12, $0xb8;
	[tilespmem:$0x1EA00] =	vst v63  }
0x9f: {  	_ =	swait.ge [sflag:s17], $0x4000  }
0xa0: {  	[sflag:s17] =	ssyncset.done $0x0  }
0xa1: {  	[sflag:s17] =	ssyncadd.s32 $0xFFFFC000  }
0xa2: {  	[spmem:s2] =	stream.indirect.scatter.add.f32 [tilespmem:s14], [sflag:$0x3], $0x80, s18, s12, $0xb8;
	[tilespmem:$0x1EA00] =	vst v63  }
0xa3: {  	_ =	swait.ge [sflag:s11], $0x4000  }
0xa4: {  	[sflag:s11] =	ssyncset.done $0x0  }
0xa5: {  	[sflag:s11] =	ssyncadd.s32 $0xFFFFC000  }
0xa6: {  	v0 =	vld [tilespmem:s22+$0x100];
	_ =	sdelay $0x4  }
0xa7: {  	v1 =	vand.u32 $0xFFFF, v0;
	v0 =	vshrl.u32 v0, $0x10  }
0xa8: {  	[tilespmem:$0x2800] =	vst v1  }
0xa9: {  	[tilespmem:$0x2880] =	vst v0  }
0xaa: {  	v0 =	vld [tilespmem:s22+$0x110];
	_ =	sdelay $0x4  }
0xab: {  	v1 =	vand.u32 $0xFFFF, v0;
	v0 =	vshrl.u32 v0, $0x10  }
0xac: {  	[tilespmem:$0x2810] =	vst v1  }
0xad: {  	[tilespmem:$0x2890] =	vst v0  }
0xae: {  	v0 =	vld [tilespmem:s22+$0x120];
	_ =	sdelay $0x4  }
0xaf: {  	v1 =	vand.u32 $0xFFFF, v0;
	v0 =	vshrl.u32 v0, $0x10  }
0xb0: {  	[tilespmem:$0x2820] =	vst v1  }
0xb1: {  	[tilespmem:$0x28A0] =	vst v0  }
0xb2: {  	v0 =	vld [tilespmem:s22+$0x130];
	_ =	sdelay $0x4  }
0xb3: {  	v1 =	vand.u32 $0xFFFF, v0;
	v0 =	vshrl.u32 v0, $0x10  }
0xb4: {  	[tilespmem:$0x2830] =	vst v1  }
0xb5: {  	[tilespmem:$0x28B0] =	vst v0  }
0xb6: {  	v0 =	vld [tilespmem:s22+$0x140];
	_ =	sdelay $0x4  }
0xb7: {  	v1 =	vand.u32 $0xFFFF, v0;
	v0 =	vshrl.u32 v0, $0x10  }
0xb8: {  	[tilespmem:$0x2840] =	vst v1  }
0xb9: {  	[tilespmem:$0x28C0] =	vst v0  }
0xba: {  	v0 =	vld [tilespmem:s22+$0x150];
	_ =	sdelay $0x4  }
0xbb: {  	v1 =	vand.u32 $0xFFFF, v0;
	v0 =	vshrl.u32 v0, $0x10  }
0xbc: {  	[tilespmem:$0x2850] =	vst v1  }
0xbd: {  	[tilespmem:$0x28D0] =	vst v0  }
0xbe: {  	v0 =	vld [tilespmem:s22+$0x160];
	_ =	sdelay $0x1  }
.Ltmp0:
0xbf: {  	(pc) =	sbr.rel @p0 .LBB2_2-.Ltmp0, $3  }
0xc0: {  	_ =	sdelay $0x1  }
0xc1: {  	v1 =	vand.u32 $0xFFFF, v0;
	v0 =	vshrl.u32 v0, $0x10  }
0xc2: {  	[tilespmem:$0x2860] =	vst v1  }
0xc3: {  	[tilespmem:$0x28E0] =	vst v0  }
0xc4: {  	v0 =	vld [tilespmem:s22+$0x170];
	_ =	sdelay $0x4  }
0xc5: {  	v1 =	vand.u32 $0xFFFF, v0  }
0xc6: {  	v0 =	vshrl.u32 v0, $0x10;
	[tilespmem:$0x2870] =	vst v1  }
0xc7: {  	[tilespmem:$0x28F0] =	vst v0  }
0xc8: {  	[tilespmem:s14], [sflag:$0x1] =	stream.indirect.gather [hbm4b:s4+s12], $0x80, s13, s12, $0xb8;
	[tilespmem:$0x1EA00] =	vst v63  }
0xc9: {  	_ =	swait.ge [sflag:s19], $0x4000  }
0xca: {  	[sflag:s19] =	ssyncset.done $0x0  }
0xcb: {  	[sflag:s19] =	ssyncadd.s32 $0xFFFFC000  }
0xcc: {  	[spmem:s2] =	stream.indirect.scatter.add.f32 [tilespmem:s16], [sflag:$0x3], $0x80, s20, s12, $0xb8;
	[tilespmem:$0x1EA00] =	vst v63  }
0xcd: {  	_ =	swait.ge [sflag:s11], $0x4000  }
0xce: {  	[sflag:s11] =	ssyncset.done $0x0  }
0xcf: {  	[sflag:s11] =	ssyncadd.s32 $0xFFFFC000  }
0xd0: {  	_ =	swait.ge [sflag:s17], $0x4000  }
0xd1: {  	[sflag:s17] =	ssyncset.done $0x0  }
0xd2: {  	[sflag:s17] =	ssyncadd.s32 $0xFFFFC000  }
0xd3: {  	[spmem:s2] =	stream.indirect.scatter.add.f32 [tilespmem:s14], [sflag:$0x3], $0x80, s18, s12, $0xb8;
	[tilespmem:$0x1EA00] =	vst v63  }
0xd4: {  	_ =	swait.ge [sflag:s11], $0x4000  }
0xd5: {  	s21 =	sadd.s32 $0x1, s21;
	[sflag:s11] =	ssyncset.done $0x0  }
0xd6: {  	p0 =	sne.s32 s21, s9;
	[sflag:s11] =	ssyncadd.s32 $0xFFFFC000  }
.Ltmp1:
0xd7: {  	[bflag:$0x0] =	sbarrier.arrive $0xFFFF;
	(pc) =	sbr.rel @p0 .LBB2_1-.Ltmp1, $4  }
0xd8: {  	[hbm:s8], [sflag:s6] =	dma.local [spmem:s10], $0x2800  }
0xd9: {  	_ =	swait.ge [sflag:s11], $0x2800  }
0xda: {  	[sflag:s11] =	ssyncset.done $0x0  }
0xdb: {  	[sflag:s11] =	ssyncadd.s32 $0xFFFFD800  }
0xdc: {  	_ =	sfence.sel $0x180000  }
0xdd: {  	[bflag:$0x0] =	sbarrier.arrive $0xFFFF  }
0xde: {  	p0 =	sne.s32 s1, $0x0;
	_ =	strace $0x9000004A  }
0xdf: {  	s0 =	sadd.s32 @!p0 $0x100000, s0;
	[bflag:$0x2] =	sbarrier.arrive $0xFFFF  }
0xe0: {  	[sflag:s0] =	ssyncadd.tile.s32 @!p0 $0x1;
	_ =	shalt  }
.Lfunc_end2:
_tile_overlayer_lowered:
.L_overlay_start_2:
0xe1: {  	(tag) =	ssettag $0x2  }
0xe2: {  	s0 =	rddreg [dreg:$0x0];
	s2 =	stileid.u32  }
0xe3: {  	s1 =	rddreg [dreg:$0x1];
	p0 =	sne.s32 s2, $0x0  }
0xe4: {  	s3 =	rddreg [dreg:$0x2];
	[bflag:$0x3] =	sbarrier.arrive $0xFFFF;
	s2 =	simm.s32 @!p0 $0x1C03  }
0xe5: {  	[timem:s3], [sflag:s2] =	dma.local @!p0 [hbm:s0], s1  }
0xe6: {  	s0 =	simm.s32 @!p0 $0x3  }
0xe7: {  	_ =	swait.ge @!p0 [sflag:s0], s1  }
0xe8: {  	s1 =	ssub.s32 @!p0 $0x0, s1;
	[sflag:s0] =	ssyncset.done @!p0 $0x0  }
0xe9: {  	[sflag:s0] =	ssyncadd.s32 @!p0 s1  }
0xea: {  	[bflag:$0x3] =	sbarrier.arrive $0xFFFF  }
0xeb: {  	_ =	shalt  }

</sc_bundles>
